<compile_context>
chip_gen: v7x
topology: tpu7x:2x2x1
jax: 0.10.2.dev20260603
libtpu: 0.0.44.dev20260713+nightly
codegen_flags: <defaults>
</compile_context>

<pallas_src>
import functools

import jax
import jax.numpy as jnp
from jax import lax
from jax.experimental import pallas as pl
from jax.experimental.pallas import tpu as pltpu
from jax.experimental.pallas import tpu_sc as plsc

_NC = 2
_NS = 16
_NW = _NC * _NS
_L = 16

_CH = 8


def _sc_mix(n_rows, h, row_off=0):
    rpw = n_rows // _NW
    nch = rpw // _CH
    mesh = plsc.VectorSubcoreMesh(core_axis_name="c", subcore_axis_name="s")

    @functools.partial(
        pl.kernel,
        mesh=mesh,
        out_type=jax.ShapeDtypeStruct((n_rows, h), jnp.float32),
        scratch_types=[
            pltpu.VMEM((2, _CH, h), jnp.float32),
            pltpu.VMEM((2, _CH, h), jnp.float32),
            pltpu.VMEM((2, _CH, h), jnp.float32),
            pltpu.VMEM((rpw * 2 * _L,), jnp.float32),
            pltpu.SemaphoreType.DMA,
            pltpu.SemaphoreType.DMA,
            pltpu.SemaphoreType.DMA,
            pltpu.SemaphoreType.DMA,
        ],
    )
    def mix(e_hbm, w_hbm, out_hbm, e0_v, e1_v, o_v, w_v,
            sin0, sin1, sout0, sout1):
        wid = lax.axis_index("s") * _NC + lax.axis_index("c")
        base = wid * rpw
        sins = (sin0, sin1)
        souts = (sout0, sout1)
        pltpu.sync_copy(w_hbm.at[pl.ds(base * 2 * _L, rpw * 2 * _L)], w_v)

        def start_in(c, b):
            row0 = row_off + base + c * _CH
            pltpu.async_copy(e_hbm.at[0, pl.ds(row0, _CH)], e0_v.at[b], sins[b])
            pltpu.async_copy(e_hbm.at[1, pl.ds(row0, _CH)], e1_v.at[b], sins[b])

        def wait_in(c, b):
            row0 = row_off + base + c * _CH
            pltpu.make_async_copy(e_hbm.at[0, pl.ds(row0, _CH)], e0_v.at[b], sins[b]).wait()
            pltpu.make_async_copy(e_hbm.at[1, pl.ds(row0, _CH)], e1_v.at[b], sins[b]).wait()

        def compute(c, b):
            def row_body(r, _):
                woff = (c * _CH + r) * 2 * _L
                w0 = w_v[pl.ds(woff, _L)]
                w1 = w_v[pl.ds(woff + _L, _L)]

                def vec_body(j, _):
                    sl = pl.ds(j * _L, _L)
                    o_v[b, r, sl] = e0_v[b, r, sl] * w0 + e1_v[b, r, sl] * w1
                    return 0

                lax.fori_loop(0, h // _L, vec_body, 0)
                return 0

            lax.fori_loop(0, _CH, row_body, 0)

        def start_out(c, b):
            row0 = base + c * _CH
            pltpu.async_copy(o_v.at[b], out_hbm.at[pl.ds(row0, _CH)], souts[b])

        def wait_out(c, b):
            row0 = base + c * _CH
            pltpu.make_async_copy(o_v.at[b], out_hbm.at[pl.ds(row0, _CH)], souts[b]).wait()

        start_in(0, 0)
        start_in(1, 1)

        def outer(t, _):
            for b in range(2):
                c = t * 2 + b
                wait_in(c, b)

                @pl.when(c >= 2)
                def _():
                    wait_out(c - 2, b)

                compute(c, b)
                start_out(c, b)

                @pl.when(c + 2 < nch)
                def _():
                    start_in(c + 2, b)
            return 0

        lax.fori_loop(0, nch // 2, outer, 0)
        wait_out(nch - 2, 0)
        wait_out(nch - 1, 1)

    return mix


_TC_ROWS = 512
_SC_FRAC_NUM, _SC_FRAC_DEN = 1, 4


def _tc_mix_body(e_ref, w_ref, o_ref):
    acc = e_ref[0] * w_ref[:, 0:1]
    for k in range(1, e_ref.shape[0]):
        acc = acc + e_ref[k] * w_ref[:, k : k + 1]
    o_ref[...] = acc


def kernel(hidden_states, expert_outputs, expert_weights, expert_indices):
    K, B, S, H = expert_outputs.shape
    N = B * S
    n_sc = (N * _SC_FRAC_NUM // _SC_FRAC_DEN) // (_NW * _CH * 2) * (_NW * _CH * 2)
    n_tc = N - n_sc
    e = expert_outputs.reshape(K, N, H)
    w = expert_weights.reshape(N, K)

    tc_out = pl.pallas_call(
        _tc_mix_body,
        grid=(n_tc // _TC_ROWS,),
        in_specs=[
            pl.BlockSpec((K, _TC_ROWS, H), lambda i: (0, i, 0)),
            pl.BlockSpec((_TC_ROWS, K), lambda i: (i, 0)),
        ],
        out_specs=pl.BlockSpec((_TC_ROWS, H), lambda i: (i, 0)),
        out_shape=jax.ShapeDtypeStruct((n_tc, H), jnp.float32),
    )(e, w)

    wb = jnp.broadcast_to(
        w[n_tc:, :, None], (n_sc, K, _L)
    ).reshape(n_sc * K * _L)
    sc_out = _sc_mix(n_sc, H, row_off=n_tc)(e, wb)

    out = jnp.concatenate([tc_out, sc_out], axis=0)
    return out.reshape(B, S, H)

# --- scband reference (transcript-rebuilt; emitter-appended) ---
"""Pipeline reference for scband-fused-expert-mixer-6150393168450 (READ-ONLY COPY).

The authoritative reference and input builder live on the scoring server;
editing this copy changes nothing except your own understanding.
"""

import jax, jax.numpy as jnp
import numpy as np

B, S, H, K, E = 4, 4096, 2048, 2, 8

def setup_inputs(seed: int = 0) -> dict:
    key = jax.random.key(seed)
    k1, k2, k3, k4 = jax.random.split(key, 4)
    hidden_states = jax.random.normal(k1, (B, S, H), dtype=jnp.float32)
    # expert_outputs is a Dict[int, Tensor] in torch; represent as stacked [K, B, S, H]
    # (the vectorized fallback path stacks expert_outputs[0..k-1] anyway)
    expert_outputs = jax.random.normal(k2, (K, B, S, H), dtype=jnp.float32)
    w = jax.random.uniform(k3, (B, S, K), dtype=jnp.float32)
    expert_weights = w / jnp.sum(w, axis=-1, keepdims=True)  # normalized weights per docstring
    expert_indices = jax.random.randint(k4, (B, S, K), 0, E, dtype=jnp.int64)
    return {"hidden_states": hidden_states, "expert_outputs": expert_outputs,
            "expert_weights": expert_weights, "expert_indices": expert_indices}

def reference(hidden_states, expert_outputs, expert_weights, expert_indices):
    # _forward_pytorch, all experts 0..k-1 present branch:
    # expert_stack = stack(expert_list, dim=0) -> already [K, B, S, H]
    # expert_stack = expert_stack.permute(1, 2, 0, 3) -> [B, S, K, H]
    expert_stack = jnp.transpose(expert_outputs, (1, 2, 0, 3))
    weights_expanded = expert_weights[..., None]  # [B, S, K, 1]
    output = jnp.sum(expert_stack * weights_expanded, axis=2)  # [B, S, H]
    return output

if __name__ == "__main__":
    import jax
    _d = setup_inputs()
    print(jax.jit(kernel)(*tuple(_d.values())))

</pallas_src>

<mosaic_0001>
#map = affine_map<(d0, d1) -> (0, 0, 0)>
#map1 = affine_map<(d0, d1) -> (0)>
#map2 = affine_map<(d0, d1) -> (0, 0)>
module attributes {stable_mosaic.version = 14 : i64} {
  func.func @mix(%arg0: i32, %arg1: i32, %arg2: memref<2x16384x2048xf32, #tpu.memory_space<hbm>>, %arg3: memref<131072xf32, #tpu.memory_space<hbm>>, %arg4: memref<4096x2048xf32, #tpu.memory_space<hbm>>, %arg5: memref<2x8x2048xf32, #tpu.memory_space<vmem>>, %arg6: memref<2x8x2048xf32, #tpu.memory_space<vmem>>, %arg7: memref<2x8x2048xf32, #tpu.memory_space<vmem>>, %arg8: memref<4096xf32, #tpu.memory_space<vmem>>, %arg9: memref<!tpu.dma_semaphore, #tpu.memory_space<semaphore_mem>>, %arg10: memref<!tpu.dma_semaphore, #tpu.memory_space<semaphore_mem>>, %arg11: memref<!tpu.dma_semaphore, #tpu.memory_space<semaphore_mem>>, %arg12: memref<!tpu.dma_semaphore, #tpu.memory_space<semaphore_mem>>) attributes {dimension_semantics = [#tpu.dimension_semantics<core_parallel>, #tpu.dimension_semantics<subcore_parallel>], iteration_bounds = array<i64: 2, 16>, scalar_prefetch = 0 : i64, scratch_operands = 8 : i64, tpu.core_type = #tpu.core_type<sc_vector_subcore>, window_params = [{transform_indices = #map}, {transform_indices = #map1}, {transform_indices = #map2}]} {
    %mul3A = arith.constant 2 : i32
    %mul3A_0 = arith.muli %arg1, %mul3A : i32
    %add3A = arith.addi %mul3A_0, %arg0 : i32
    %mul3A_1 = arith.constant 128 : i32
    %mul3A_2 = arith.muli %add3A, %mul3A_1 : i32
    %mul3A_3 = arith.constant 2 : i32
    %mul3A_4 = arith.muli %mul3A_2, %mul3A_3 : i32
    %mul3A_5 = arith.constant 16 : i32
    %mul3A_6 = arith.muli %mul3A_4, %mul3A_5 : i32
    "tpu.region"() ({
      %run_scoped3A = tpu.sem_alloc : memref<!tpu.dma_semaphore, #tpu.memory_space<semaphore_mem>>
      %dma_start3A_113 = tpu.memref_slice %arg3[%mul3A_6] : memref<131072xf32, #tpu.memory_space<hbm>> -> memref<4096xf32, #tpu.memory_space<hbm>>
      %dma_start3A_114 = tpu.memref_slice %arg3[%mul3A_6] : memref<131072xf32, #tpu.memory_space<hbm>> -> memref<4096xf32, #tpu.memory_space<hbm>>
      tpu.enqueue_dma source(%dma_start3A_114 : memref<4096xf32, #tpu.memory_space<hbm>>) target(%arg8 : memref<4096xf32, #tpu.memory_space<vmem>>) target_semaphore(%run_scoped3A : memref<!tpu.dma_semaphore, #tpu.memory_space<semaphore_mem>>)
      %dma_wait3A_115 = tpu.memref_slice %arg3[%mul3A_6] : memref<131072xf32, #tpu.memory_space<hbm>> -> memref<4096xf32, #tpu.memory_space<hbm>>
      %dma_wait3A_116 = tpu.memref_slice %arg3[%mul3A_6] : memref<131072xf32, #tpu.memory_space<hbm>> -> memref<4096xf32, #tpu.memory_space<hbm>>
      tpu.wait_dma2 semaphore(%run_scoped3A : memref<!tpu.dma_semaphore, #tpu.memory_space<semaphore_mem>>) src(%dma_wait3A_116 : memref<4096xf32, #tpu.memory_space<hbm>>) dst(%arg8 : memref<4096xf32, #tpu.memory_space<vmem>>)
      tpu.yield
    }) : () -> ()
    %add3A_7 = arith.constant 12288 : i32
    %add3A_8 = arith.addi %add3A_7, %mul3A_2 : i32
    %add3A_9 = arith.constant 0 : i32
    %add3A_10 = arith.addi %add3A_8, %add3A_9 : i32
    %dma_start3A = arith.constant 0 : i32
    %dma_start3A_11 = arith.constant 0 : i32
    %dma_start3A_12 = arith.constant 0 : i32
    %dma_start3A_13 = arith.constant 0 : i32
    %dma_start3A_14 = tpu.memref_slice %arg5[%dma_start3A_11, %dma_start3A_12, %dma_start3A_13] : memref<2x8x2048xf32, #tpu.memory_space<vmem>> -> memref<1x8x2048xf32, #tpu.memory_space<vmem>>
    %dma_start3A_15 = tpu.memref_squeeze %dma_start3A_14 : memref<1x8x2048xf32, #tpu.memory_space<vmem>> -> memref<8x2048xf32, #tpu.memory_space<vmem>>
    %dma_start3A_16 = arith.constant 0 : i32
    %dma_start3A_17 = tpu.memref_slice %arg2[%dma_start3A, %add3A_10, %dma_start3A_16] : memref<2x16384x2048xf32, #tpu.memory_space<hbm>> -> memref<1x8x2048xf32, #tpu.memory_space<hbm>>
    %dma_start3A_18 = tpu.memref_squeeze %dma_start3A_17 : memref<1x8x2048xf32, #tpu.memory_space<hbm>> -> memref<8x2048xf32, #tpu.memory_space<hbm>>
    %dma_start3A_19 = arith.constant 0 : i32
    %dma_start3A_20 = arith.constant 0 : i32
    %dma_start3A_21 = tpu.memref_slice %arg5[%dma_start3A_11, %dma_start3A_19, %dma_start3A_20] : memref<2x8x2048xf32, #tpu.memory_space<vmem>> -> memref<1x8x2048xf32, #tpu.memory_space<vmem>>
    %dma_start3A_22 = tpu.memref_squeeze %dma_start3A_21 : memref<1x8x2048xf32, #tpu.memory_space<vmem>> -> memref<8x2048xf32, #tpu.memory_space<vmem>>
    %dma_start3A_23 = arith.constant 0 : i32
    %dma_start3A_24 = tpu.memref_slice %arg2[%dma_start3A, %add3A_10, %dma_start3A_23] : memref<2x16384x2048xf32, #tpu.memory_space<hbm>> -> memref<1x8x2048xf32, #tpu.memory_space<hbm>>
    %dma_start3A_25 = tpu.memref_squeeze %dma_start3A_24 : memref<1x8x2048xf32, #tpu.memory_space<hbm>> -> memref<8x2048xf32, #tpu.memory_space<hbm>>
    tpu.enqueue_dma source(%dma_start3A_25 : memref<8x2048xf32, #tpu.memory_space<hbm>>) target(%dma_start3A_22 : memref<8x2048xf32, #tpu.memory_space<vmem>>) target_semaphore(%arg9 : memref<!tpu.dma_semaphore, #tpu.memory_space<semaphore_mem>>)
    %dma_start3A_26 = arith.constant 1 : i32
    %dma_start3A_27 = arith.constant 0 : i32
    %dma_start3A_28 = arith.constant 0 : i32
    %dma_start3A_29 = arith.constant 0 : i32
    %dma_start3A_30 = tpu.memref_slice %arg6[%dma_start3A_27, %dma_start3A_28, %dma_start3A_29] : memref<2x8x2048xf32, #tpu.memory_space<vmem>> -> memref<1x8x2048xf32, #tpu.memory_space<vmem>>
    %dma_start3A_31 = tpu.memref_squeeze %dma_start3A_30 : memref<1x8x2048xf32, #tpu.memory_space<vmem>> -> memref<8x2048xf32, #tpu.memory_space<vmem>>
    %dma_start3A_32 = arith.constant 0 : i32
    %dma_start3A_33 = tpu.memref_slice %arg2[%dma_start3A_26, %add3A_10, %dma_start3A_32] : memref<2x16384x2048xf32, #tpu.memory_space<hbm>> -> memref<1x8x2048xf32, #tpu.memory_space<hbm>>
    %dma_start3A_34 = tpu.memref_squeeze %dma_start3A_33 : memref<1x8x2048xf32, #tpu.memory_space<hbm>> -> memref<8x2048xf32, #tpu.memory_space<hbm>>
    %dma_start3A_35 = arith.constant 0 : i32
    %dma_start3A_36 = arith.constant 0 : i32
    %dma_start3A_37 = tpu.memref_slice %arg6[%dma_start3A_27, %dma_start3A_35, %dma_start3A_36] : memref<2x8x2048xf32, #tpu.memory_space<vmem>> -> memref<1x8x2048xf32, #tpu.memory_space<vmem>>
    %dma_start3A_38 = tpu.memref_squeeze %dma_start3A_37 : memref<1x8x2048xf32, #tpu.memory_space<vmem>> -> memref<8x2048xf32, #tpu.memory_space<vmem>>
    %dma_start3A_39 = arith.constant 0 : i32
    %dma_start3A_40 = tpu.memref_slice %arg2[%dma_start3A_26, %add3A_10, %dma_start3A_39] : memref<2x16384x2048xf32, #tpu.memory_space<hbm>> -> memref<1x8x2048xf32, #tpu.memory_space<hbm>>
    %dma_start3A_41 = tpu.memref_squeeze %dma_start3A_40 : memref<1x8x2048xf32, #tpu.memory_space<hbm>> -> memref<8x2048xf32, #tpu.memory_space<hbm>>
    tpu.enqueue_dma source(%dma_start3A_41 : memref<8x2048xf32, #tpu.memory_space<hbm>>) target(%dma_start3A_38 : memref<8x2048xf32, #tpu.memory_space<vmem>>) target_semaphore(%arg9 : memref<!tpu.dma_semaphore, #tpu.memory_space<semaphore_mem>>)
    %add3A_42 = arith.constant 12288 : i32
    %add3A_43 = arith.addi %add3A_42, %mul3A_2 : i32
    %add3A_44 = arith.constant 8 : i32
    %add3A_45 = arith.addi %add3A_43, %add3A_44 : i32
    %dma_start3A_46 = arith.constant 0 : i32
    %dma_start3A_47 = arith.constant 1 : i32
    %dma_start3A_48 = arith.constant 0 : i32
    %dma_start3A_49 = arith.constant 0 : i32
    %dma_start3A_50 = tpu.memref_slice %arg5[%dma_start3A_47, %dma_start3A_48, %dma_start3A_49] : memref<2x8x2048xf32, #tpu.memory_space<vmem>> -> memref<1x8x2048xf32, #tpu.memory_space<vmem>>
    %dma_start3A_51 = tpu.memref_squeeze %dma_start3A_50 : memref<1x8x2048xf32, #tpu.memory_space<vmem>> -> memref<8x2048xf32, #tpu.memory_space<vmem>>
    %dma_start3A_52 = arith.constant 0 : i32
    %dma_start3A_53 = tpu.memref_slice %arg2[%dma_start3A_46, %add3A_45, %dma_start3A_52] : memref<2x16384x2048xf32, #tpu.memory_space<hbm>> -> memref<1x8x2048xf32, #tpu.memory_space<hbm>>
    %dma_start3A_54 = tpu.memref_squeeze %dma_start3A_53 : memref<1x8x2048xf32, #tpu.memory_space<hbm>> -> memref<8x2048xf32, #tpu.memory_space<hbm>>
    %dma_start3A_55 = arith.constant 0 : i32
    %dma_start3A_56 = arith.constant 0 : i32
    %dma_start3A_57 = tpu.memref_slice %arg5[%dma_start3A_47, %dma_start3A_55, %dma_start3A_56] : memref<2x8x2048xf32, #tpu.memory_space<vmem>> -> memref<1x8x2048xf32, #tpu.memory_space<vmem>>
    %dma_start3A_58 = tpu.memref_squeeze %dma_start3A_57 : memref<1x8x2048xf32, #tpu.memory_space<vmem>> -> memref<8x2048xf32, #tpu.memory_space<vmem>>
    %dma_start3A_59 = arith.constant 0 : i32
    %dma_start3A_60 = tpu.memref_slice %arg2[%dma_start3A_46, %add3A_45, %dma_start3A_59] : memref<2x16384x2048xf32, #tpu.memory_space<hbm>> -> memref<1x8x2048xf32, #tpu.memory_space<hbm>>
    %dma_start3A_61 = tpu.memref_squeeze %dma_start3A_60 : memref<1x8x2048xf32, #tpu.memory_space<hbm>> -> memref<8x2048xf32, #tpu.memory_space<hbm>>
    tpu.enqueue_dma source(%dma_start3A_61 : memref<8x2048xf32, #tpu.memory_space<hbm>>) target(%dma_start3A_58 : memref<8x2048xf32, #tpu.memory_space<vmem>>) target_semaphore(%arg10 : memref<!tpu.dma_semaphore, #tpu.memory_space<semaphore_mem>>)
    %dma_start3A_62 = arith.constant 1 : i32
    %dma_start3A_63 = arith.constant 1 : i32
    %dma_start3A_64 = arith.constant 0 : i32
    %dma_start3A_65 = arith.constant 0 : i32
    %dma_start3A_66 = tpu.memref_slice %arg6[%dma_start3A_63, %dma_start3A_64, %dma_start3A_65] : memref<2x8x2048xf32, #tpu.memory_space<vmem>> -> memref<1x8x2048xf32, #tpu.memory_space<vmem>>
    %dma_start3A_67 = tpu.memref_squeeze %dma_start3A_66 : memref<1x8x2048xf32, #tpu.memory_space<vmem>> -> memref<8x2048xf32, #tpu.memory_space<vmem>>
    %dma_start3A_68 = arith.constant 0 : i32
    %dma_start3A_69 = tpu.memref_slice %arg2[%dma_start3A_62, %add3A_45, %dma_start3A_68] : memref<2x16384x2048xf32, #tpu.memory_space<hbm>> -> memref<1x8x2048xf32, #tpu.memory_space<hbm>>
    %dma_start3A_70 = tpu.memref_squeeze %dma_start3A_69 : memref<1x8x2048xf32, #tpu.memory_space<hbm>> -> memref<8x2048xf32, #tpu.memory_space<hbm>>
    %dma_start3A_71 = arith.constant 0 : i32
    %dma_start3A_72 = arith.constant 0 : i32
    %dma_start3A_73 = tpu.memref_slice %arg6[%dma_start3A_63, %dma_start3A_71, %dma_start3A_72] : memref<2x8x2048xf32, #tpu.memory_space<vmem>> -> memref<1x8x2048xf32, #tpu.memory_space<vmem>>
    %dma_start3A_74 = tpu.memref_squeeze %dma_start3A_73 : memref<1x8x2048xf32, #tpu.memory_space<vmem>> -> memref<8x2048xf32, #tpu.memory_space<vmem>>
    %dma_start3A_75 = arith.constant 0 : i32
    %dma_start3A_76 = tpu.memref_slice %arg2[%dma_start3A_62, %add3A_45, %dma_start3A_75] : memref<2x16384x2048xf32, #tpu.memory_space<hbm>> -> memref<1x8x2048xf32, #tpu.memory_space<hbm>>
    %dma_start3A_77 = tpu.memref_squeeze %dma_start3A_76 : memref<1x8x2048xf32, #tpu.memory_space<hbm>> -> memref<8x2048xf32, #tpu.memory_space<hbm>>
    tpu.enqueue_dma source(%dma_start3A_77 : memref<8x2048xf32, #tpu.memory_space<hbm>>) target(%dma_start3A_74 : memref<8x2048xf32, #tpu.memory_space<vmem>>) target_semaphore(%arg10 : memref<!tpu.dma_semaphore, #tpu.memory_space<semaphore_mem>>)
    %scan3A = arith.constant 0 : i32
    %scan3A_78 = arith.constant 0 : i32
    %scan3A_79 = arith.constant 8 : i32
    %scan3A_80 = arith.addi %scan3A_78, %scan3A_79 : i32
    %scan3A_81 = arith.constant 1 : i32
    %scan3A_82 = scf.for %scan3A_113 = %scan3A_78 to %scan3A_80 step %scan3A_81 iter_args(%scan3A_114 = %scan3A) -> (i32)  : i32 {
      %mul3A_115 = arith.constant 2 : i32
      %mul3A_116 = arith.muli %scan3A_113, %mul3A_115 : i32
      %add3A_117 = arith.constant 0 : i32
      %add3A_118 = arith.addi %mul3A_116, %add3A_117 : i32
      %add3A_119 = arith.constant 12288 : i32
      %add3A_120 = arith.addi %add3A_119, %mul3A_2 : i32
      %mul3A_121 = arith.constant 8 : i32
      %mul3A_122 = arith.muli %add3A_118, %mul3A_121 : i32
      %add3A_123 = arith.addi %add3A_120, %mul3A_122 : i32
      %dma_wait3A_124 = arith.constant 0 : i32
      %dma_wait3A_125 = arith.constant 0 : i32
      %dma_wait3A_126 = arith.constant 0 : i32
      %dma_wait3A_127 = arith.constant 0 : i32
      %dma_wait3A_128 = tpu.memref_slice %arg5[%dma_wait3A_125, %dma_wait3A_126, %dma_wait3A_127] : memref<2x8x2048xf32, #tpu.memory_space<vmem>> -> memref<1x8x2048xf32, #tpu.memory_space<vmem>>
      %dma_wait3A_129 = tpu.memref_squeeze %dma_wait3A_128 : memref<1x8x2048xf32, #tpu.memory_space<vmem>> -> memref<8x2048xf32, #tpu.memory_space<vmem>>
      %dma_wait3A_130 = arith.constant 0 : i32
      %dma_wait3A_131 = tpu.memref_slice %arg2[%dma_wait3A_124, %add3A_123, %dma_wait3A_130] : memref<2x16384x2048xf32, #tpu.memory_space<hbm>> -> memref<1x8x2048xf32, #tpu.memory_space<hbm>>
      %dma_wait3A_132 = tpu.memref_squeeze %dma_wait3A_131 : memref<1x8x2048xf32, #tpu.memory_space<hbm>> -> memref<8x2048xf32, #tpu.memory_space<hbm>>
      %dma_wait3A_133 = arith.constant 0 : i32
      %dma_wait3A_134 = arith.constant 0 : i32
      %dma_wait3A_135 = tpu.memref_slice %arg5[%dma_wait3A_125, %dma_wait3A_133, %dma_wait3A_134] : memref<2x8x2048xf32, #tpu.memory_space<vmem>> -> memref<1x8x2048xf32, #tpu.memory_space<vmem>>
      %dma_wait3A_136 = tpu.memref_squeeze %dma_wait3A_135 : memref<1x8x2048xf32, #tpu.memory_space<vmem>> -> memref<8x2048xf32, #tpu.memory_space<vmem>>
      %dma_wait3A_137 = arith.constant 0 : i32
      %dma_wait3A_138 = tpu.memref_slice %arg2[%dma_wait3A_124, %add3A_123, %dma_wait3A_137] : memref<2x16384x2048xf32, #tpu.memory_space<hbm>> -> memref<1x8x2048xf32, #tpu.memory_space<hbm>>
      %dma_wait3A_139 = tpu.memref_squeeze %dma_wait3A_138 : memref<1x8x2048xf32, #tpu.memory_space<hbm>> -> memref<8x2048xf32, #tpu.memory_space<hbm>>
      tpu.wait_dma2 semaphore(%arg9 : memref<!tpu.dma_semaphore, #tpu.memory_space<semaphore_mem>>) src(%dma_wait3A_139 : memref<8x2048xf32, #tpu.memory_space<hbm>>) dst(%dma_wait3A_136 : memref<8x2048xf32, #tpu.memory_space<vmem>>)
      %dma_wait3A_140 = arith.constant 1 : i32
      %dma_wait3A_141 = arith.constant 0 : i32
      %dma_wait3A_142 = arith.constant 0 : i32
      %dma_wait3A_143 = arith.constant 0 : i32
      %dma_wait3A_144 = tpu.memref_slice %arg6[%dma_wait3A_141, %dma_wait3A_142, %dma_wait3A_143] : memref<2x8x2048xf32, #tpu.memory_space<vmem>> -> memref<1x8x2048xf32, #tpu.memory_space<vmem>>
      %dma_wait3A_145 = tpu.memref_squeeze %dma_wait3A_144 : memref<1x8x2048xf32, #tpu.memory_space<vmem>> -> memref<8x2048xf32, #tpu.memory_space<vmem>>
      %dma_wait3A_146 = arith.constant 0 : i32
      %dma_wait3A_147 = tpu.memref_slice %arg2[%dma_wait3A_140, %add3A_123, %dma_wait3A_146] : memref<2x16384x2048xf32, #tpu.memory_space<hbm>> -> memref<1x8x2048xf32, #tpu.memory_space<hbm>>
      %dma_wait3A_148 = tpu.memref_squeeze %dma_wait3A_147 : memref<1x8x2048xf32, #tpu.memory_space<hbm>> -> memref<8x2048xf32, #tpu.memory_space<hbm>>
      %dma_wait3A_149 = arith.constant 0 : i32
      %dma_wait3A_150 = arith.constant 0 : i32
      %dma_wait3A_151 = tpu.memref_slice %arg6[%dma_wait3A_141, %dma_wait3A_149, %dma_wait3A_150] : memref<2x8x2048xf32, #tpu.memory_space<vmem>> -> memref<1x8x2048xf32, #tpu.memory_space<vmem>>
      %dma_wait3A_152 = tpu.memref_squeeze %dma_wait3A_151 : memref<1x8x2048xf32, #tpu.memory_space<vmem>> -> memref<8x2048xf32, #tpu.memory_space<vmem>>
      %dma_wait3A_153 = arith.constant 0 : i32
      %dma_wait3A_154 = tpu.memref_slice %arg2[%dma_wait3A_140, %add3A_123, %dma_wait3A_153] : memref<2x16384x2048xf32, #tpu.memory_space<hbm>> -> memref<1x8x2048xf32, #tpu.memory_space<hbm>>
      %dma_wait3A_155 = tpu.memref_squeeze %dma_wait3A_154 : memref<1x8x2048xf32, #tpu.memory_space<hbm>> -> memref<8x2048xf32, #tpu.memory_space<hbm>>
      tpu.wait_dma2 semaphore(%arg9 : memref<!tpu.dma_semaphore, #tpu.memory_space<semaphore_mem>>) src(%dma_wait3A_155 : memref<8x2048xf32, #tpu.memory_space<hbm>>) dst(%dma_wait3A_152 : memref<8x2048xf32, #tpu.memory_space<vmem>>)
      %ge3A = arith.constant 2 : i32
      %ge3A_156 = arith.cmpi sge, %add3A_118, %ge3A : i32
      %convert_element_type3A = arith.extui %ge3A_156 : i1 to i32
      %cond3A = arith.constant 0 : i32
      %cond3A_157 = arith.cmpi ne, %convert_element_type3A, %cond3A : i32
      scf.if %cond3A_157 {
        %sub3A = arith.constant 2 : i32
        %sub3A_264 = arith.subi %add3A_118, %sub3A : i32
        %mul3A_265 = arith.constant 8 : i32
        %mul3A_266 = arith.muli %sub3A_264, %mul3A_265 : i32
        %add3A_267 = arith.addi %mul3A_2, %mul3A_266 : i32
        %dma_wait3A_268 = arith.constant 0 : i32
        %dma_wait3A_269 = arith.constant 0 : i32
        %dma_wait3A_270 = arith.constant 0 : i32
        %dma_wait3A_271 = tpu.memref_slice %arg7[%dma_wait3A_268, %dma_wait3A_269, %dma_wait3A_270] : memref<2x8x2048xf32, #tpu.memory_space<vmem>> -> memref<1x8x2048xf32, #tpu.memory_space<vmem>>
        %dma_wait3A_272 = tpu.memref_squeeze %dma_wait3A_271 : memref<1x8x2048xf32, #tpu.memory_space<vmem>> -> memref<8x2048xf32, #tpu.memory_space<vmem>>
        %dma_wait3A_273 = arith.constant 0 : i32
        %dma_wait3A_274 = tpu.memref_slice %arg4[%add3A_267, %dma_wait3A_273] : memref<4096x2048xf32, #tpu.memory_space<hbm>> -> memref<8x2048xf32, #tpu.memory_space<hbm>>
        %dma_wait3A_275 = arith.constant 0 : i32
        %dma_wait3A_276 = tpu.memref_slice %arg4[%add3A_267, %dma_wait3A_275] : memref<4096x2048xf32, #tpu.memory_space<hbm>> -> memref<8x2048xf32, #tpu.memory_space<hbm>>
        %dma_wait3A_277 = arith.constant 0 : i32
        %dma_wait3A_278 = arith.constant 0 : i32
        %dma_wait3A_279 = tpu.memref_slice %arg7[%dma_wait3A_268, %dma_wait3A_277, %dma_wait3A_278] : memref<2x8x2048xf32, #tpu.memory_space<vmem>> -> memref<1x8x2048xf32, #tpu.memory_space<vmem>>
        %dma_wait3A_280 = tpu.memref_squeeze %dma_wait3A_279 : memref<1x8x2048xf32, #tpu.memory_space<vmem>> -> memref<8x2048xf32, #tpu.memory_space<vmem>>
        tpu.wait_dma2 semaphore(%arg11 : memref<!tpu.dma_semaphore, #tpu.memory_space<semaphore_mem>>) src(%dma_wait3A_280 : memref<8x2048xf32, #tpu.memory_space<vmem>>) dst(%dma_wait3A_276 : memref<8x2048xf32, #tpu.memory_space<hbm>>)
      } else {
      }
      %scan3A_158 = arith.constant 0 : i32
      %scan3A_159 = arith.constant 0 : i32
      %scan3A_160 = arith.constant 8 : i32
      %scan3A_161 = arith.addi %scan3A_159, %scan3A_160 : i32
      %scan3A_162 = arith.constant 1 : i32
      %scan3A_163 = scf.for %scan3A_264 = %scan3A_159 to %scan3A_161 step %scan3A_162 iter_args(%scan3A_265 = %scan3A_158) -> (i32)  : i32 {
        %mul3A_266 = arith.constant 8 : i32
        %mul3A_267 = arith.muli %add3A_118, %mul3A_266 : i32
        %add3A_268 = arith.addi %mul3A_267, %scan3A_264 : i32
        %mul3A_269 = arith.constant 2 : i32
        %mul3A_270 = arith.muli %add3A_268, %mul3A_269 : i32
        %mul3A_271 = arith.constant 16 : i32
        %mul3A_272 = arith.muli %mul3A_270, %mul3A_271 : i32
        %get3A = arith.index_cast %mul3A_272 : i32 to index
        %get3A_273 = tpu.vector_load %arg8[%get3A] {strides = array<i32>} : memref<4096xf32, #tpu.memory_space<vmem>>, vector<16xf32>,
        %get3A_274 = vector.shape_cast %get3A_273 : vector<16xf32> to vector<16xf32>
        %add3A_275 = arith.constant 16 : i32
        %add3A_276 = arith.addi %mul3A_272, %add3A_275 : i32
        %get3A_277 = arith.index_cast %add3A_276 : i32 to index
        %get3A_278 = tpu.vector_load %arg8[%get3A_277] {strides = array<i32>} : memref<4096xf32, #tpu.memory_space<vmem>>, vector<16xf32>,
        %get3A_279 = vector.shape_cast %get3A_278 : vector<16xf32> to vector<16xf32>
        %scan3A_280 = arith.constant 0 : i32
        %scan3A_281 = arith.constant 0 : i32
        %scan3A_282 = arith.constant 128 : i32
        %scan3A_283 = arith.addi %scan3A_281, %scan3A_282 : i32
        %scan3A_284 = arith.constant 1 : i32
        %scan3A_285 = scf.for %scan3A_288 = %scan3A_281 to %scan3A_283 step %scan3A_284 iter_args(%scan3A_289 = %scan3A_280) -> (i32)  : i32 {
          %mul3A_290 = arith.constant 16 : i32
          %mul3A_291 = arith.muli %scan3A_288, %mul3A_290 : i32
          %get3A_292 = arith.constant 0 : i32
          %get3A_293 = arith.index_cast %get3A_292 : i32 to index
          %get3A_294 = arith.index_cast %scan3A_264 : i32 to index
          %get3A_295 = arith.index_cast %mul3A_291 : i32 to index
          %get3A_296 = tpu.vector_load %arg5[%get3A_293, %get3A_294, %get3A_295] {strides = array<i32>} : memref<2x8x2048xf32, #tpu.memory_space<vmem>>, vector<1x1x16xf32>,
          %get3A_297 = vector.shape_cast %get3A_296 : vector<1x1x16xf32> to vector<16xf32>
          %mul3A_298 = arith.mulf %get3A_297, %get3A_274 : vector<16xf32>
          %get3A_299 = arith.constant 0 : i32
          %get3A_300 = arith.index_cast %get3A_299 : i32 to index
          %get3A_301 = arith.index_cast %scan3A_264 : i32 to index
          %get3A_302 = arith.index_cast %mul3A_291 : i32 to index
          %get3A_303 = tpu.vector_load %arg6[%get3A_300, %get3A_301, %get3A_302] {strides = array<i32>} : memref<2x8x2048xf32, #tpu.memory_space<vmem>>, vector<1x1x16xf32>,
          %get3A_304 = vector.shape_cast %get3A_303 : vector<1x1x16xf32> to vector<16xf32>
          %mul3A_305 = arith.mulf %get3A_304, %get3A_279 : vector<16xf32>
          %add3A_306 = arith.addf %mul3A_298, %mul3A_305 : vector<16xf32>
          %swap3A = arith.constant 0 : i32
          %swap3A_307 = arith.index_cast %swap3A : i32 to index
          %swap3A_308 = arith.index_cast %scan3A_264 : i32 to index
          %swap3A_309 = arith.index_cast %mul3A_291 : i32 to index
          %swap3A_310 = tpu.vector_load %arg7[%swap3A_307, %swap3A_308, %swap3A_309] {strides = array<i32>} : memref<2x8x2048xf32, #tpu.memory_space<vmem>>, vector<1x1x16xf32>,
          %swap3A_311 = vector.shape_cast %swap3A_310 : vector<1x1x16xf32> to vector<16xf32>
          %swap3A_312 = vector.shape_cast %add3A_306 : vector<16xf32> to vector<1x1x16xf32>
          tpu.vector_store %arg7[%swap3A_307, %swap3A_308, %swap3A_309], %swap3A_312 {strides = array<i32>} : memref<2x8x2048xf32, #tpu.memory_space<vmem>>, vector<1x1x16xf32>,
          %scan3A_313 = arith.constant 0 : i32
          scf.yield %scan3A_313 : i32
        }
        %scan3A_286 = arith.constant 128 : i32
        %scan3A_287 = arith.constant 0 : i32
        scf.yield %scan3A_287 : i32
      }
      %scan3A_164 = arith.constant 8 : i32
      %mul3A_165 = arith.constant 8 : i32
      %mul3A_166 = arith.muli %add3A_118, %mul3A_165 : i32
      %add3A_167 = arith.addi %mul3A_2, %mul3A_166 : i32
      %dma_start3A_168 = arith.constant 0 : i32
      %dma_start3A_169 = arith.constant 0 : i32
      %dma_start3A_170 = arith.constant 0 : i32
      %dma_start3A_171 = tpu.memref_slice %arg7[%dma_start3A_168, %dma_start3A_169, %dma_start3A_170] : memref<2x8x2048xf32, #tpu.memory_space<vmem>> -> memref<1x8x2048xf32, #tpu.memory_space<vmem>>
      %dma_start3A_172 = tpu.memref_squeeze %dma_start3A_171 : memref<1x8x2048xf32, #tpu.memory_space<vmem>> -> memref<8x2048xf32, #tpu.memory_space<vmem>>
      %dma_start3A_173 = arith.constant 0 : i32
      %dma_start3A_174 = tpu.memref_slice %arg4[%add3A_167, %dma_start3A_173] : memref<4096x2048xf32, #tpu.memory_space<hbm>> -> memref<8x2048xf32, #tpu.memory_space<hbm>>
      %dma_start3A_175 = arith.constant 0 : i32
      %dma_start3A_176 = tpu.memref_slice %arg4[%add3A_167, %dma_start3A_175] : memref<4096x2048xf32, #tpu.memory_space<hbm>> -> memref<8x2048xf32, #tpu.memory_space<hbm>>
      %dma_start3A_177 = arith.constant 0 : i32
      %dma_start3A_178 = arith.constant 0 : i32
      %dma_start3A_179 = tpu.memref_slice %arg7[%dma_start3A_168, %dma_start3A_177, %dma_start3A_178] : memref<2x8x2048xf32, #tpu.memory_space<vmem>> -> memref<1x8x2048xf32, #tpu.memory_space<vmem>>
      %dma_start3A_180 = tpu.memref_squeeze %dma_start3A_179 : memref<1x8x2048xf32, #tpu.memory_space<vmem>> -> memref<8x2048xf32, #tpu.memory_space<vmem>>
      tpu.enqueue_dma source(%dma_start3A_180 : memref<8x2048xf32, #tpu.memory_space<vmem>>) target(%dma_start3A_176 : memref<8x2048xf32, #tpu.memory_space<hbm>>) target_semaphore(%arg11 : memref<!tpu.dma_semaphore, #tpu.memory_space<semaphore_mem>>)
      %add3A_181 = arith.constant 2 : i32
      %add3A_182 = arith.addi %add3A_118, %add3A_181 : i32
      %lt3A = arith.constant 16 : i32
      %lt3A_183 = arith.cmpi slt, %add3A_182, %lt3A : i32
      %convert_element_type3A_184 = arith.extui %lt3A_183 : i1 to i32
      %cond3A_185 = arith.constant 0 : i32
      %cond3A_186 = arith.cmpi ne, %convert_element_type3A_184, %cond3A_185 : i32
      scf.if %cond3A_186 {
        %add3A_264 = arith.constant 2 : i32
        %add3A_265 = arith.addi %add3A_118, %add3A_264 : i32
        %add3A_266 = arith.constant 12288 : i32
        %add3A_267 = arith.addi %add3A_266, %mul3A_2 : i32
        %mul3A_268 = arith.constant 8 : i32
        %mul3A_269 = arith.muli %add3A_265, %mul3A_268 : i32
        %add3A_270 = arith.addi %add3A_267, %mul3A_269 : i32
        %dma_start3A_271 = arith.constant 0 : i32
        %dma_start3A_272 = arith.constant 0 : i32
        %dma_start3A_273 = arith.constant 0 : i32
        %dma_start3A_274 = arith.constant 0 : i32
        %dma_start3A_275 = tpu.memref_slice %arg5[%dma_start3A_272, %dma_start3A_273, %dma_start3A_274] : memref<2x8x2048xf32, #tpu.memory_space<vmem>> -> memref<1x8x2048xf32, #tpu.memory_space<vmem>>
        %dma_start3A_276 = tpu.memref_squeeze %dma_start3A_275 : memref<1x8x2048xf32, #tpu.memory_space<vmem>> -> memref<8x2048xf32, #tpu.memory_space<vmem>>
        %dma_start3A_277 = arith.constant 0 : i32
        %dma_start3A_278 = tpu.memref_slice %arg2[%dma_start3A_271, %add3A_270, %dma_start3A_277] : memref<2x16384x2048xf32, #tpu.memory_space<hbm>> -> memref<1x8x2048xf32, #tpu.memory_space<hbm>>
        %dma_start3A_279 = tpu.memref_squeeze %dma_start3A_278 : memref<1x8x2048xf32, #tpu.memory_space<hbm>> -> memref<8x2048xf32, #tpu.memory_space<hbm>>
        %dma_start3A_280 = arith.constant 0 : i32
        %dma_start3A_281 = arith.constant 0 : i32
        %dma_start3A_282 = tpu.memref_slice %arg5[%dma_start3A_272, %dma_start3A_280, %dma_start3A_281] : memref<2x8x2048xf32, #tpu.memory_space<vmem>> -> memref<1x8x2048xf32, #tpu.memory_space<vmem>>
        %dma_start3A_283 = tpu.memref_squeeze %dma_start3A_282 : memref<1x8x2048xf32, #tpu.memory_space<vmem>> -> memref<8x2048xf32, #tpu.memory_space<vmem>>
        %dma_start3A_284 = arith.constant 0 : i32
        %dma_start3A_285 = tpu.memref_slice %arg2[%dma_start3A_271, %add3A_270, %dma_start3A_284] : memref<2x16384x2048xf32, #tpu.memory_space<hbm>> -> memref<1x8x2048xf32, #tpu.memory_space<hbm>>
        %dma_start3A_286 = tpu.memref_squeeze %dma_start3A_285 : memref<1x8x2048xf32, #tpu.memory_space<hbm>> -> memref<8x2048xf32, #tpu.memory_space<hbm>>
        tpu.enqueue_dma source(%dma_start3A_286 : memref<8x2048xf32, #tpu.memory_space<hbm>>) target(%dma_start3A_283 : memref<8x2048xf32, #tpu.memory_space<vmem>>) target_semaphore(%arg9 : memref<!tpu.dma_semaphore, #tpu.memory_space<semaphore_mem>>)
        %dma_start3A_287 = arith.constant 1 : i32
        %dma_start3A_288 = arith.constant 0 : i32
        %dma_start3A_289 = arith.constant 0 : i32
        %dma_start3A_290 = arith.constant 0 : i32
        %dma_start3A_291 = tpu.memref_slice %arg6[%dma_start3A_288, %dma_start3A_289, %dma_start3A_290] : memref<2x8x2048xf32, #tpu.memory_space<vmem>> -> memref<1x8x2048xf32, #tpu.memory_space<vmem>>
        %dma_start3A_292 = tpu.memref_squeeze %dma_start3A_291 : memref<1x8x2048xf32, #tpu.memory_space<vmem>> -> memref<8x2048xf32, #tpu.memory_space<vmem>>
        %dma_start3A_293 = arith.constant 0 : i32
        %dma_start3A_294 = tpu.memref_slice %arg2[%dma_start3A_287, %add3A_270, %dma_start3A_293] : memref<2x16384x2048xf32, #tpu.memory_space<hbm>> -> memref<1x8x2048xf32, #tpu.memory_space<hbm>>
        %dma_start3A_295 = tpu.memref_squeeze %dma_start3A_294 : memref<1x8x2048xf32, #tpu.memory_space<hbm>> -> memref<8x2048xf32, #tpu.memory_space<hbm>>
        %dma_start3A_296 = arith.constant 0 : i32
        %dma_start3A_297 = arith.constant 0 : i32
        %dma_start3A_298 = tpu.memref_slice %arg6[%dma_start3A_288, %dma_start3A_296, %dma_start3A_297] : memref<2x8x2048xf32, #tpu.memory_space<vmem>> -> memref<1x8x2048xf32, #tpu.memory_space<vmem>>
        %dma_start3A_299 = tpu.memref_squeeze %dma_start3A_298 : memref<1x8x2048xf32, #tpu.memory_space<vmem>> -> memref<8x2048xf32, #tpu.memory_space<vmem>>
        %dma_start3A_300 = arith.constant 0 : i32
        %dma_start3A_301 = tpu.memref_slice %arg2[%dma_start3A_287, %add3A_270, %dma_start3A_300] : memref<2x16384x2048xf32, #tpu.memory_space<hbm>> -> memref<1x8x2048xf32, #tpu.memory_space<hbm>>
        %dma_start3A_302 = tpu.memref_squeeze %dma_start3A_301 : memref<1x8x2048xf32, #tpu.memory_space<hbm>> -> memref<8x2048xf32, #tpu.memory_space<hbm>>
        tpu.enqueue_dma source(%dma_start3A_302 : memref<8x2048xf32, #tpu.memory_space<hbm>>) target(%dma_start3A_299 : memref<8x2048xf32, #tpu.memory_space<vmem>>) target_semaphore(%arg9 : memref<!tpu.dma_semaphore, #tpu.memory_space<semaphore_mem>>)
      } else {
      }
      %mul3A_187 = arith.constant 2 : i32
      %mul3A_188 = arith.muli %scan3A_113, %mul3A_187 : i32
      %add3A_189 = arith.constant 1 : i32
      %add3A_190 = arith.addi %mul3A_188, %add3A_189 : i32
      %add3A_191 = arith.constant 12288 : i32
      %add3A_192 = arith.addi %add3A_191, %mul3A_2 : i32
      %mul3A_193 = arith.constant 8 : i32
      %mul3A_194 = arith.muli %add3A_190, %mul3A_193 : i32
      %add3A_195 = arith.addi %add3A_192, %mul3A_194 : i32
      %dma_wait3A_196 = arith.constant 0 : i32
      %dma_wait3A_197 = arith.constant 1 : i32
      %dma_wait3A_198 = arith.constant 0 : i32
      %dma_wait3A_199 = arith.constant 0 : i32
      %dma_wait3A_200 = tpu.memref_slice %arg5[%dma_wait3A_197, %dma_wait3A_198, %dma_wait3A_199] : memref<2x8x2048xf32, #tpu.memory_space<vmem>> -> memref<1x8x2048xf32, #tpu.memory_space<vmem>>
      %dma_wait3A_201 = tpu.memref_squeeze %dma_wait3A_200 : memref<1x8x2048xf32, #tpu.memory_space<vmem>> -> memref<8x2048xf32, #tpu.memory_space<vmem>>
      %dma_wait3A_202 = arith.constant 0 : i32
      %dma_wait3A_203 = tpu.memref_slice %arg2[%dma_wait3A_196, %add3A_195, %dma_wait3A_202] : memref<2x16384x2048xf32, #tpu.memory_space<hbm>> -> memref<1x8x2048xf32, #tpu.memory_space<hbm>>
      %dma_wait3A_204 = tpu.memref_squeeze %dma_wait3A_203 : memref<1x8x2048xf32, #tpu.memory_space<hbm>> -> memref<8x2048xf32, #tpu.memory_space<hbm>>
      %dma_wait3A_205 = arith.constant 0 : i32
      %dma_wait3A_206 = arith.constant 0 : i32
      %dma_wait3A_207 = tpu.memref_slice %arg5[%dma_wait3A_197, %dma_wait3A_205, %dma_wait3A_206] : memref<2x8x2048xf32, #tpu.memory_space<vmem>> -> memref<1x8x2048xf32, #tpu.memory_space<vmem>>
      %dma_wait3A_208 = tpu.memref_squeeze %dma_wait3A_207 : memref<1x8x2048xf32, #tpu.memory_space<vmem>> -> memref<8x2048xf32, #tpu.memory_space<vmem>>
      %dma_wait3A_209 = arith.constant 0 : i32
      %dma_wait3A_210 = tpu.memref_slice %arg2[%dma_wait3A_196, %add3A_195, %dma_wait3A_209] : memref<2x16384x2048xf32, #tpu.memory_space<hbm>> -> memref<1x8x2048xf32, #tpu.memory_space<hbm>>
      %dma_wait3A_211 = tpu.memref_squeeze %dma_wait3A_210 : memref<1x8x2048xf32, #tpu.memory_space<hbm>> -> memref<8x2048xf32, #tpu.memory_space<hbm>>
      tpu.wait_dma2 semaphore(%arg10 : memref<!tpu.dma_semaphore, #tpu.memory_space<semaphore_mem>>) src(%dma_wait3A_211 : memref<8x2048xf32, #tpu.memory_space<hbm>>) dst(%dma_wait3A_208 : memref<8x2048xf32, #tpu.memory_space<vmem>>)
      %dma_wait3A_212 = arith.constant 1 : i32
      %dma_wait3A_213 = arith.constant 1 : i32
      %dma_wait3A_214 = arith.constant 0 : i32
      %dma_wait3A_215 = arith.constant 0 : i32
      %dma_wait3A_216 = tpu.memref_slice %arg6[%dma_wait3A_213, %dma_wait3A_214, %dma_wait3A_215] : memref<2x8x2048xf32, #tpu.memory_space<vmem>> -> memref<1x8x2048xf32, #tpu.memory_space<vmem>>
      %dma_wait3A_217 = tpu.memref_squeeze %dma_wait3A_216 : memref<1x8x2048xf32, #tpu.memory_space<vmem>> -> memref<8x2048xf32, #tpu.memory_space<vmem>>
      %dma_wait3A_218 = arith.constant 0 : i32
      %dma_wait3A_219 = tpu.memref_slice %arg2[%dma_wait3A_212, %add3A_195, %dma_wait3A_218] : memref<2x16384x2048xf32, #tpu.memory_space<hbm>> -> memref<1x8x2048xf32, #tpu.memory_space<hbm>>
      %dma_wait3A_220 = tpu.memref_squeeze %dma_wait3A_219 : memref<1x8x2048xf32, #tpu.memory_space<hbm>> -> memref<8x2048xf32, #tpu.memory_space<hbm>>
      %dma_wait3A_221 = arith.constant 0 : i32
      %dma_wait3A_222 = arith.constant 0 : i32
      %dma_wait3A_223 = tpu.memref_slice %arg6[%dma_wait3A_213, %dma_wait3A_221, %dma_wait3A_222] : memref<2x8x2048xf32, #tpu.memory_space<vmem>> -> memref<1x8x2048xf32, #tpu.memory_space<vmem>>
      %dma_wait3A_224 = tpu.memref_squeeze %dma_wait3A_223 : memref<1x8x2048xf32, #tpu.memory_space<vmem>> -> memref<8x2048xf32, #tpu.memory_space<vmem>>
      %dma_wait3A_225 = arith.constant 0 : i32
      %dma_wait3A_226 = tpu.memref_slice %arg2[%dma_wait3A_212, %add3A_195, %dma_wait3A_225] : memref<2x16384x2048xf32, #tpu.memory_space<hbm>> -> memref<1x8x2048xf32, #tpu.memory_space<hbm>>
      %dma_wait3A_227 = tpu.memref_squeeze %dma_wait3A_226 : memref<1x8x2048xf32, #tpu.memory_space<hbm>> -> memref<8x2048xf32, #tpu.memory_space<hbm>>
      tpu.wait_dma2 semaphore(%arg10 : memref<!tpu.dma_semaphore, #tpu.memory_space<semaphore_mem>>) src(%dma_wait3A_227 : memref<8x2048xf32, #tpu.memory_space<hbm>>) dst(%dma_wait3A_224 : memref<8x2048xf32, #tpu.memory_space<vmem>>)
      %ge3A_228 = arith.constant 2 : i32
      %ge3A_229 = arith.cmpi sge, %add3A_190, %ge3A_228 : i32
      %convert_element_type3A_230 = arith.extui %ge3A_229 : i1 to i32
      %cond3A_231 = arith.constant 0 : i32
      %cond3A_232 = arith.cmpi ne, %convert_element_type3A_230, %cond3A_231 : i32
      scf.if %cond3A_232 {
        %sub3A = arith.constant 2 : i32
        %sub3A_264 = arith.subi %add3A_190, %sub3A : i32
        %mul3A_265 = arith.constant 8 : i32
        %mul3A_266 = arith.muli %sub3A_264, %mul3A_265 : i32
        %add3A_267 = arith.addi %mul3A_2, %mul3A_266 : i32
        %dma_wait3A_268 = arith.constant 1 : i32
        %dma_wait3A_269 = arith.constant 0 : i32
        %dma_wait3A_270 = arith.constant 0 : i32
        %dma_wait3A_271 = tpu.memref_slice %arg7[%dma_wait3A_268, %dma_wait3A_269, %dma_wait3A_270] : memref<2x8x2048xf32, #tpu.memory_space<vmem>> -> memref<1x8x2048xf32, #tpu.memory_space<vmem>>
        %dma_wait3A_272 = tpu.memref_squeeze %dma_wait3A_271 : memref<1x8x2048xf32, #tpu.memory_space<vmem>> -> memref<8x2048xf32, #tpu.memory_space<vmem>>
        %dma_wait3A_273 = arith.constant 0 : i32
        %dma_wait3A_274 = tpu.memref_slice %arg4[%add3A_267, %dma_wait3A_273] : memref<4096x2048xf32, #tpu.memory_space<hbm>> -> memref<8x2048xf32, #tpu.memory_space<hbm>>
        %dma_wait3A_275 = arith.constant 0 : i32
        %dma_wait3A_276 = tpu.memref_slice %arg4[%add3A_267, %dma_wait3A_275] : memref<4096x2048xf32, #tpu.memory_space<hbm>> -> memref<8x2048xf32, #tpu.memory_space<hbm>>
        %dma_wait3A_277 = arith.constant 0 : i32
        %dma_wait3A_278 = arith.constant 0 : i32
        %dma_wait3A_279 = tpu.memref_slice %arg7[%dma_wait3A_268, %dma_wait3A_277, %dma_wait3A_278] : memref<2x8x2048xf32, #tpu.memory_space<vmem>> -> memref<1x8x2048xf32, #tpu.memory_space<vmem>>
        %dma_wait3A_280 = tpu.memref_squeeze %dma_wait3A_279 : memref<1x8x2048xf32, #tpu.memory_space<vmem>> -> memref<8x2048xf32, #tpu.memory_space<vmem>>
        tpu.wait_dma2 semaphore(%arg12 : memref<!tpu.dma_semaphore, #tpu.memory_space<semaphore_mem>>) src(%dma_wait3A_280 : memref<8x2048xf32, #tpu.memory_space<vmem>>) dst(%dma_wait3A_276 : memref<8x2048xf32, #tpu.memory_space<hbm>>)
      } else {
      }
      %scan3A_233 = arith.constant 0 : i32
      %scan3A_234 = arith.constant 0 : i32
      %scan3A_235 = arith.constant 8 : i32
      %scan3A_236 = arith.addi %scan3A_234, %scan3A_235 : i32
      %scan3A_237 = arith.constant 1 : i32
      %scan3A_238 = scf.for %scan3A_264 = %scan3A_234 to %scan3A_236 step %scan3A_237 iter_args(%scan3A_265 = %scan3A_233) -> (i32)  : i32 {
        %mul3A_266 = arith.constant 8 : i32
        %mul3A_267 = arith.muli %add3A_190, %mul3A_266 : i32
        %add3A_268 = arith.addi %mul3A_267, %scan3A_264 : i32
        %mul3A_269 = arith.constant 2 : i32
        %mul3A_270 = arith.muli %add3A_268, %mul3A_269 : i32
        %mul3A_271 = arith.constant 16 : i32
        %mul3A_272 = arith.muli %mul3A_270, %mul3A_271 : i32
        %get3A = arith.index_cast %mul3A_272 : i32 to index
        %get3A_273 = tpu.vector_load %arg8[%get3A] {strides = array<i32>} : memref<4096xf32, #tpu.memory_space<vmem>>, vector<16xf32>,
        %get3A_274 = vector.shape_cast %get3A_273 : vector<16xf32> to vector<16xf32>
        %add3A_275 = arith.constant 16 : i32
        %add3A_276 = arith.addi %mul3A_272, %add3A_275 : i32
        %get3A_277 = arith.index_cast %add3A_276 : i32 to index
        %get3A_278 = tpu.vector_load %arg8[%get3A_277] {strides = array<i32>} : memref<4096xf32, #tpu.memory_space<vmem>>, vector<16xf32>,
        %get3A_279 = vector.shape_cast %get3A_278 : vector<16xf32> to vector<16xf32>
        %scan3A_280 = arith.constant 0 : i32
        %scan3A_281 = arith.constant 0 : i32
        %scan3A_282 = arith.constant 128 : i32
        %scan3A_283 = arith.addi %scan3A_281, %scan3A_282 : i32
        %scan3A_284 = arith.constant 1 : i32
        %scan3A_285 = scf.for %scan3A_288 = %scan3A_281 to %scan3A_283 step %scan3A_284 iter_args(%scan3A_289 = %scan3A_280) -> (i32)  : i32 {
          %mul3A_290 = arith.constant 16 : i32
          %mul3A_291 = arith.muli %scan3A_288, %mul3A_290 : i32
          %get3A_292 = arith.constant 1 : i32
          %get3A_293 = arith.index_cast %get3A_292 : i32 to index
          %get3A_294 = arith.index_cast %scan3A_264 : i32 to index
          %get3A_295 = arith.index_cast %mul3A_291 : i32 to index
          %get3A_296 = tpu.vector_load %arg5[%get3A_293, %get3A_294, %get3A_295] {strides = array<i32>} : memref<2x8x2048xf32, #tpu.memory_space<vmem>>, vector<1x1x16xf32>,
          %get3A_297 = vector.shape_cast %get3A_296 : vector<1x1x16xf32> to vector<16xf32>
          %mul3A_298 = arith.mulf %get3A_297, %get3A_274 : vector<16xf32>
          %get3A_299 = arith.constant 1 : i32
          %get3A_300 = arith.index_cast %get3A_299 : i32 to index
          %get3A_301 = arith.index_cast %scan3A_264 : i32 to index
          %get3A_302 = arith.index_cast %mul3A_291 : i32 to index
          %get3A_303 = tpu.vector_load %arg6[%get3A_300, %get3A_301, %get3A_302] {strides = array<i32>} : memref<2x8x2048xf32, #tpu.memory_space<vmem>>, vector<1x1x16xf32>,
          %get3A_304 = vector.shape_cast %get3A_303 : vector<1x1x16xf32> to vector<16xf32>
          %mul3A_305 = arith.mulf %get3A_304, %get3A_279 : vector<16xf32>
          %add3A_306 = arith.addf %mul3A_298, %mul3A_305 : vector<16xf32>
          %swap3A = arith.constant 1 : i32
          %swap3A_307 = arith.index_cast %swap3A : i32 to index
          %swap3A_308 = arith.index_cast %scan3A_264 : i32 to index
          %swap3A_309 = arith.index_cast %mul3A_291 : i32 to index
          %swap3A_310 = tpu.vector_load %arg7[%swap3A_307, %swap3A_308, %swap3A_309] {strides = array<i32>} : memref<2x8x2048xf32, #tpu.memory_space<vmem>>, vector<1x1x16xf32>,
          %swap3A_311 = vector.shape_cast %swap3A_310 : vector<1x1x16xf32> to vector<16xf32>
          %swap3A_312 = vector.shape_cast %add3A_306 : vector<16xf32> to vector<1x1x16xf32>
          tpu.vector_store %arg7[%swap3A_307, %swap3A_308, %swap3A_309], %swap3A_312 {strides = array<i32>} : memref<2x8x2048xf32, #tpu.memory_space<vmem>>, vector<1x1x16xf32>,
          %scan3A_313 = arith.constant 0 : i32
          scf.yield %scan3A_313 : i32
        }
        %scan3A_286 = arith.constant 128 : i32
        %scan3A_287 = arith.constant 0 : i32
        scf.yield %scan3A_287 : i32
      }
      %scan3A_239 = arith.constant 8 : i32
      %mul3A_240 = arith.constant 8 : i32
      %mul3A_241 = arith.muli %add3A_190, %mul3A_240 : i32
      %add3A_242 = arith.addi %mul3A_2, %mul3A_241 : i32
      %dma_start3A_243 = arith.constant 1 : i32
      %dma_start3A_244 = arith.constant 0 : i32
      %dma_start3A_245 = arith.constant 0 : i32
      %dma_start3A_246 = tpu.memref_slice %arg7[%dma_start3A_243, %dma_start3A_244, %dma_start3A_245] : memref<2x8x2048xf32, #tpu.memory_space<vmem>> -> memref<1x8x2048xf32, #tpu.memory_space<vmem>>
      %dma_start3A_247 = tpu.memref_squeeze %dma_start3A_246 : memref<1x8x2048xf32, #tpu.memory_space<vmem>> -> memref<8x2048xf32, #tpu.memory_space<vmem>>
      %dma_start3A_248 = arith.constant 0 : i32
      %dma_start3A_249 = tpu.memref_slice %arg4[%add3A_242, %dma_start3A_248] : memref<4096x2048xf32, #tpu.memory_space<hbm>> -> memref<8x2048xf32, #tpu.memory_space<hbm>>
      %dma_start3A_250 = arith.constant 0 : i32
      %dma_start3A_251 = tpu.memref_slice %arg4[%add3A_242, %dma_start3A_250] : memref<4096x2048xf32, #tpu.memory_space<hbm>> -> memref<8x2048xf32, #tpu.memory_space<hbm>>
      %dma_start3A_252 = arith.constant 0 : i32
      %dma_start3A_253 = arith.constant 0 : i32
      %dma_start3A_254 = tpu.memref_slice %arg7[%dma_start3A_243, %dma_start3A_252, %dma_start3A_253] : memref<2x8x2048xf32, #tpu.memory_space<vmem>> -> memref<1x8x2048xf32, #tpu.memory_space<vmem>>
      %dma_start3A_255 = tpu.memref_squeeze %dma_start3A_254 : memref<1x8x2048xf32, #tpu.memory_space<vmem>> -> memref<8x2048xf32, #tpu.memory_space<vmem>>
      tpu.enqueue_dma source(%dma_start3A_255 : memref<8x2048xf32, #tpu.memory_space<vmem>>) target(%dma_start3A_251 : memref<8x2048xf32, #tpu.memory_space<hbm>>) target_semaphore(%arg12 : memref<!tpu.dma_semaphore, #tpu.memory_space<semaphore_mem>>)
      %add3A_256 = arith.constant 2 : i32
      %add3A_257 = arith.addi %add3A_190, %add3A_256 : i32
      %lt3A_258 = arith.constant 16 : i32
      %lt3A_259 = arith.cmpi slt, %add3A_257, %lt3A_258 : i32
      %convert_element_type3A_260 = arith.extui %lt3A_259 : i1 to i32
      %cond3A_261 = arith.constant 0 : i32
      %cond3A_262 = arith.cmpi ne, %convert_element_type3A_260, %cond3A_261 : i32
      scf.if %cond3A_262 {
        %add3A_264 = arith.constant 2 : i32
        %add3A_265 = arith.addi %add3A_190, %add3A_264 : i32
        %add3A_266 = arith.constant 12288 : i32
        %add3A_267 = arith.addi %add3A_266, %mul3A_2 : i32
        %mul3A_268 = arith.constant 8 : i32
        %mul3A_269 = arith.muli %add3A_265, %mul3A_268 : i32
        %add3A_270 = arith.addi %add3A_267, %mul3A_269 : i32
        %dma_start3A_271 = arith.constant 0 : i32
        %dma_start3A_272 = arith.constant 1 : i32
        %dma_start3A_273 = arith.constant 0 : i32
        %dma_start3A_274 = arith.constant 0 : i32
        %dma_start3A_275 = tpu.memref_slice %arg5[%dma_start3A_272, %dma_start3A_273, %dma_start3A_274] : memref<2x8x2048xf32, #tpu.memory_space<vmem>> -> memref<1x8x2048xf32, #tpu.memory_space<vmem>>
        %dma_start3A_276 = tpu.memref_squeeze %dma_start3A_275 : memref<1x8x2048xf32, #tpu.memory_space<vmem>> -> memref<8x2048xf32, #tpu.memory_space<vmem>>
        %dma_start3A_277 = arith.constant 0 : i32
        %dma_start3A_278 = tpu.memref_slice %arg2[%dma_start3A_271, %add3A_270, %dma_start3A_277] : memref<2x16384x2048xf32, #tpu.memory_space<hbm>> -> memref<1x8x2048xf32, #tpu.memory_space<hbm>>
        %dma_start3A_279 = tpu.memref_squeeze %dma_start3A_278 : memref<1x8x2048xf32, #tpu.memory_space<hbm>> -> memref<8x2048xf32, #tpu.memory_space<hbm>>
        %dma_start3A_280 = arith.constant 0 : i32
        %dma_start3A_281 = arith.constant 0 : i32
        %dma_start3A_282 = tpu.memref_slice %arg5[%dma_start3A_272, %dma_start3A_280, %dma_start3A_281] : memref<2x8x2048xf32, #tpu.memory_space<vmem>> -> memref<1x8x2048xf32, #tpu.memory_space<vmem>>
        %dma_start3A_283 = tpu.memref_squeeze %dma_start3A_282 : memref<1x8x2048xf32, #tpu.memory_space<vmem>> -> memref<8x2048xf32, #tpu.memory_space<vmem>>
        %dma_start3A_284 = arith.constant 0 : i32
        %dma_start3A_285 = tpu.memref_slice %arg2[%dma_start3A_271, %add3A_270, %dma_start3A_284] : memref<2x16384x2048xf32, #tpu.memory_space<hbm>> -> memref<1x8x2048xf32, #tpu.memory_space<hbm>>
        %dma_start3A_286 = tpu.memref_squeeze %dma_start3A_285 : memref<1x8x2048xf32, #tpu.memory_space<hbm>> -> memref<8x2048xf32, #tpu.memory_space<hbm>>
        tpu.enqueue_dma source(%dma_start3A_286 : memref<8x2048xf32, #tpu.memory_space<hbm>>) target(%dma_start3A_283 : memref<8x2048xf32, #tpu.memory_space<vmem>>) target_semaphore(%arg10 : memref<!tpu.dma_semaphore, #tpu.memory_space<semaphore_mem>>)
        %dma_start3A_287 = arith.constant 1 : i32
        %dma_start3A_288 = arith.constant 1 : i32
        %dma_start3A_289 = arith.constant 0 : i32
        %dma_start3A_290 = arith.constant 0 : i32
        %dma_start3A_291 = tpu.memref_slice %arg6[%dma_start3A_288, %dma_start3A_289, %dma_start3A_290] : memref<2x8x2048xf32, #tpu.memory_space<vmem>> -> memref<1x8x2048xf32, #tpu.memory_space<vmem>>
        %dma_start3A_292 = tpu.memref_squeeze %dma_start3A_291 : memref<1x8x2048xf32, #tpu.memory_space<vmem>> -> memref<8x2048xf32, #tpu.memory_space<vmem>>
        %dma_start3A_293 = arith.constant 0 : i32
        %dma_start3A_294 = tpu.memref_slice %arg2[%dma_start3A_287, %add3A_270, %dma_start3A_293] : memref<2x16384x2048xf32, #tpu.memory_space<hbm>> -> memref<1x8x2048xf32, #tpu.memory_space<hbm>>
        %dma_start3A_295 = tpu.memref_squeeze %dma_start3A_294 : memref<1x8x2048xf32, #tpu.memory_space<hbm>> -> memref<8x2048xf32, #tpu.memory_space<hbm>>
        %dma_start3A_296 = arith.constant 0 : i32
        %dma_start3A_297 = arith.constant 0 : i32
        %dma_start3A_298 = tpu.memref_slice %arg6[%dma_start3A_288, %dma_start3A_296, %dma_start3A_297] : memref<2x8x2048xf32, #tpu.memory_space<vmem>> -> memref<1x8x2048xf32, #tpu.memory_space<vmem>>
        %dma_start3A_299 = tpu.memref_squeeze %dma_start3A_298 : memref<1x8x2048xf32, #tpu.memory_space<vmem>> -> memref<8x2048xf32, #tpu.memory_space<vmem>>
        %dma_start3A_300 = arith.constant 0 : i32
        %dma_start3A_301 = tpu.memref_slice %arg2[%dma_start3A_287, %add3A_270, %dma_start3A_300] : memref<2x16384x2048xf32, #tpu.memory_space<hbm>> -> memref<1x8x2048xf32, #tpu.memory_space<hbm>>
        %dma_start3A_302 = tpu.memref_squeeze %dma_start3A_301 : memref<1x8x2048xf32, #tpu.memory_space<hbm>> -> memref<8x2048xf32, #tpu.memory_space<hbm>>
        tpu.enqueue_dma source(%dma_start3A_302 : memref<8x2048xf32, #tpu.memory_space<hbm>>) target(%dma_start3A_299 : memref<8x2048xf32, #tpu.memory_space<vmem>>) target_semaphore(%arg10 : memref<!tpu.dma_semaphore, #tpu.memory_space<semaphore_mem>>)
      } else {
      }
      %scan3A_263 = arith.constant 0 : i32
      scf.yield %scan3A_263 : i32
    }
    %scan3A_83 = arith.constant 8 : i32
    %add3A_84 = arith.constant 112 : i32
    %add3A_85 = arith.addi %mul3A_2, %add3A_84 : i32
    %dma_wait3A = arith.constant 0 : i32
    %dma_wait3A_86 = arith.constant 0 : i32
    %dma_wait3A_87 = arith.constant 0 : i32
    %dma_wait3A_88 = tpu.memref_slice %arg7[%dma_wait3A, %dma_wait3A_86, %dma_wait3A_87] : memref<2x8x2048xf32, #tpu.memory_space<vmem>> -> memref<1x8x2048xf32, #tpu.memory_space<vmem>>
    %dma_wait3A_89 = tpu.memref_squeeze %dma_wait3A_88 : memref<1x8x2048xf32, #tpu.memory_space<vmem>> -> memref<8x2048xf32, #tpu.memory_space<vmem>>
    %dma_wait3A_90 = arith.constant 0 : i32
    %dma_wait3A_91 = tpu.memref_slice %arg4[%add3A_85, %dma_wait3A_90] : memref<4096x2048xf32, #tpu.memory_space<hbm>> -> memref<8x2048xf32, #tpu.memory_space<hbm>>
    %dma_wait3A_92 = arith.constant 0 : i32
    %dma_wait3A_93 = tpu.memref_slice %arg4[%add3A_85, %dma_wait3A_92] : memref<4096x2048xf32, #tpu.memory_space<hbm>> -> memref<8x2048xf32, #tpu.memory_space<hbm>>
    %dma_wait3A_94 = arith.constant 0 : i32
    %dma_wait3A_95 = arith.constant 0 : i32
    %dma_wait3A_96 = tpu.memref_slice %arg7[%dma_wait3A, %dma_wait3A_94, %dma_wait3A_95] : memref<2x8x2048xf32, #tpu.memory_space<vmem>> -> memref<1x8x2048xf32, #tpu.memory_space<vmem>>
    %dma_wait3A_97 = tpu.memref_squeeze %dma_wait3A_96 : memref<1x8x2048xf32, #tpu.memory_space<vmem>> -> memref<8x2048xf32, #tpu.memory_space<vmem>>
    tpu.wait_dma2 semaphore(%arg11 : memref<!tpu.dma_semaphore, #tpu.memory_space<semaphore_mem>>) src(%dma_wait3A_97 : memref<8x2048xf32, #tpu.memory_space<vmem>>) dst(%dma_wait3A_93 : memref<8x2048xf32, #tpu.memory_space<hbm>>)
    %add3A_98 = arith.constant 120 : i32
    %add3A_99 = arith.addi %mul3A_2, %add3A_98 : i32
    %dma_wait3A_100 = arith.constant 1 : i32
    %dma_wait3A_101 = arith.constant 0 : i32
    %dma_wait3A_102 = arith.constant 0 : i32
    %dma_wait3A_103 = tpu.memref_slice %arg7[%dma_wait3A_100, %dma_wait3A_101, %dma_wait3A_102] : memref<2x8x2048xf32, #tpu.memory_space<vmem>> -> memref<1x8x2048xf32, #tpu.memory_space<vmem>>
    %dma_wait3A_104 = tpu.memref_squeeze %dma_wait3A_103 : memref<1x8x2048xf32, #tpu.memory_space<vmem>> -> memref<8x2048xf32, #tpu.memory_space<vmem>>
    %dma_wait3A_105 = arith.constant 0 : i32
    %dma_wait3A_106 = tpu.memref_slice %arg4[%add3A_99, %dma_wait3A_105] : memref<4096x2048xf32, #tpu.memory_space<hbm>> -> memref<8x2048xf32, #tpu.memory_space<hbm>>
    %dma_wait3A_107 = arith.constant 0 : i32
    %dma_wait3A_108 = tpu.memref_slice %arg4[%add3A_99, %dma_wait3A_107] : memref<4096x2048xf32, #tpu.memory_space<hbm>> -> memref<8x2048xf32, #tpu.memory_space<hbm>>
    %dma_wait3A_109 = arith.constant 0 : i32
    %dma_wait3A_110 = arith.constant 0 : i32
    %dma_wait3A_111 = tpu.memref_slice %arg7[%dma_wait3A_100, %dma_wait3A_109, %dma_wait3A_110] : memref<2x8x2048xf32, #tpu.memory_space<vmem>> -> memref<1x8x2048xf32, #tpu.memory_space<vmem>>
    %dma_wait3A_112 = tpu.memref_squeeze %dma_wait3A_111 : memref<1x8x2048xf32, #tpu.memory_space<vmem>> -> memref<8x2048xf32, #tpu.memory_space<vmem>>
    tpu.wait_dma2 semaphore(%arg12 : memref<!tpu.dma_semaphore, #tpu.memory_space<semaphore_mem>>) src(%dma_wait3A_112 : memref<8x2048xf32, #tpu.memory_space<vmem>>) dst(%dma_wait3A_108 : memref<8x2048xf32, #tpu.memory_space<hbm>>)
    return
  }
}

module attributes {stable_mosaic.version = 14 : i64} {
  func.func @_tc_mix_body(%arg0: i32, %arg1: memref<2x512x2048xf32, #tpu.memory_space<vmem>>, %arg2: memref<512x2xf32, #tpu.memory_space<vmem>>, %arg3: memref<512x2048xf32, #tpu.memory_space<vmem>>) attributes {dimension_semantics = [#tpu.dimension_semantics<arbitrary>], iteration_bounds = array<i64: 24>, scalar_prefetch = 0 : i64, scratch_operands = 0 : i64, tpu.core_type = #tpu.core_type<tc>, window_params = [{transform_indices = @transform_0, window_bounds = array<i64: 2, 512, 2048>}, {transform_indices = @transform_1, window_bounds = array<i64: 512, 2>}, {transform_indices = @transform_2, window_bounds = array<i64: 512, 2048>}]} {
    %get3A = arith.constant 0 : index
    %get3A_0 = arith.constant 0 : index
    %get3A_1 = arith.constant 0 : index
    %get3A_2 = vector.load %arg1[%get3A, %get3A_0, %get3A_1] : memref<2x512x2048xf32, #tpu.memory_space<vmem>>, vector<1x512x2048xf32>
    %get3A_3 = vector.shape_cast %get3A_2 : vector<1x512x2048xf32> to vector<512x2048xf32>
    %get3A_4 = arith.constant 0 : index
    %get3A_5 = arith.constant 0 : index
    %get3A_6 = vector.load %arg2[%get3A_4, %get3A_5] : memref<512x2xf32, #tpu.memory_space<vmem>>, vector<512x1xf32>
    %mul3A = vector.broadcast %get3A_6 : vector<512x1xf32> to vector<512x2048xf32>
    %mul3A_7 = arith.mulf %get3A_3, %mul3A : vector<512x2048xf32>
    %get3A_8 = arith.constant 1 : index
    %get3A_9 = arith.constant 0 : index
    %get3A_10 = arith.constant 0 : index
    %get3A_11 = vector.load %arg1[%get3A_8, %get3A_9, %get3A_10] : memref<2x512x2048xf32, #tpu.memory_space<vmem>>, vector<1x512x2048xf32>
    %get3A_12 = vector.shape_cast %get3A_11 : vector<1x512x2048xf32> to vector<512x2048xf32>
    %get3A_13 = arith.constant 0 : index
    %get3A_14 = arith.constant 1 : index
    %get3A_15 = vector.load %arg2[%get3A_13, %get3A_14] : memref<512x2xf32, #tpu.memory_space<vmem>>, vector<512x1xf32>
    %mul3A_16 = vector.broadcast %get3A_15 : vector<512x1xf32> to vector<512x2048xf32>
    %mul3A_17 = arith.mulf %get3A_12, %mul3A_16 : vector<512x2048xf32>
    %add3A = arith.addf %mul3A_7, %mul3A_17 : vector<512x2048xf32>
    %swap3A = arith.constant 0 : index
    %swap3A_18 = arith.constant 0 : index
    %swap3A_19 = vector.load %arg3[%swap3A, %swap3A_18] : memref<512x2048xf32, #tpu.memory_space<vmem>>, vector<512x2048xf32>
    tpu.vector_store %arg3[%swap3A, %swap3A_18], %add3A {strides = array<i32>} : memref<512x2048xf32, #tpu.memory_space<vmem>>, vector<512x2048xf32>,
    return
  }
  func.func @transform_0(%arg0: i32) -> (i32, i32, i32) {
    %c0_i32 = arith.constant 0 : i32
    %c0_i32_0 = arith.constant 0 : i32
    %c0_i32_1 = arith.constant 0 : i32
    return %c0_i32, %arg0, %c0_i32_0 : i32, i32, i32
  }
  func.func @transform_1(%arg0: i32) -> (i32, i32) {
    %c0_i32 = arith.constant 0 : i32
    %c0_i32_0 = arith.constant 0 : i32
    return %arg0, %c0_i32 : i32, i32
  }
  func.func @transform_2(%arg0: i32) -> (i32, i32) {
    %c0_i32 = arith.constant 0 : i32
    %c0_i32_0 = arith.constant 0 : i32
    return %arg0, %c0_i32 : i32, i32
  }
}

</mosaic_0001>

<sc_bundles>
// kernel: kernel.4.cloned.1.call-start
scs
__scs_entry_jumppad:
0x0: {  	(pc) =	sbr.rel $0x88, $3  }
0x1: {  	(tag) =	ssettag $0x0;
	lr =	simm.s32 $0x1  }
0x2: {  	[smem:$0x3F9F] =	sst lr;
	_ =	strace $0xD0000000  }
0x3: {  	_ = 	snop  }
0x4: {  	_ = 	snop  }
0x5: {  	_ = 	snop  }
0x6: {  	_ = 	snop  }
0x7: {  	_ = 	snop  }
__scs_overlays_trampoline_lowered:
0x8: {  	[smem:$0x3FAE] =	sst s0  }
0x9: {  	[smem:$0x3FAF] =	sst s1  }
0xa: {  	[smem:$0x3FB0] =	sst s2  }
0xb: {  	[smem:$0x3FB1] =	sst s3  }
0xc: {  	[smem:$0x3FB2] =	sst s4  }
0xd: {  	[smem:$0x3FB3] =	sst s5  }
0xe: {  	[smem:$0x3FB4] =	sst s6  }
0xf: {  	[smem:$0x3FB5] =	sst s7  }
0x10: {  	[smem:$0x3FB6] =	sst s8  }
0x11: {  	[smem:$0x3FB7] =	sst s9;
	s0 =	simm.s32 @!p0 $0x0  }
0x12: {  	s1 =	sld [smem:$0x3F9D];
	s0 =	simm.s32 @p0 $0x1  }
0x13: {  	[smem:$0x3FB8] =	sst s0;
	s0 =	simm.s32 @!p1 $0x0  }
0x14: {  	s2 =	sld [smem:$0x3F9C];
	s0 =	simm.s32 @p1 $0x1  }
0x15: {  	[smem:$0x3FB9] =	sst s0;
	s0 =	simm.s32 @!p2 $0x0  }
0x16: {  	s3 =	sld [smem:$0x3FDB];
	s0 =	simm.s32 @p2 $0x1  }
0x17: {  	s4 =	simm.s32 $0x1BF5;
	[smem:$0x3FBB] =	sst s0  }
0x18: {  	s0 =	sld [smem:$0x3F9E];
	_ =	swait.ge [sflag:s4], $0x0  }
0x19: {  	s7 =	sld [smem:$0x3F9F]  }
0x1a: {  	s8 =	sadd.s32 $0xFFFFE003, lr  }
0x1b: {  	s9 =	sadd.s32 $0xFFFFFEF7, lr;
	s5 =	simm.s32 $0xFFFFFFFF;
	p2 =	slt.u32 s8, $0xFFFFF086  }
0x1c: {  	p1 =	slt.u32 s9, $0xF7A;
	s5 =	simm.s32 @!p2 $0x0  }
0x1d: {  	s5 =	simm.s32 @p1 $0x1;
	p0 =	seq.s32 s7, s2  }
0x1e: {  	s7 =	smul.u32 @!p0 $0xF7A, s2;
	p2 =	seq.s32 @!p0 s5, $0x0  }
0x1f: {  	s9 =	smul.u32 $0xF7A, s1;
	s8 =	simm.s32 @!p0 $0x1BF5;
	p2 =	por !p2, p0  }
0x20: {  	[sflag:s8] =	ssyncset.s32 @!p0 $0xFFFFF086;
	s6 =	sadd.s32 @!p0 s3, s7;
	s7 =	simm.s32 @!p0 $0x108  }
0x21: {  	s3 =	sadd.s32 s3, s9;
	s6 =	sadd.s32 @!p0 $0x88, s6;
	s7 =	simm.s32 @p2 $0x1082  }
0x22: {  	[simem:s7], [sflag:s8] =	dma.local @!p0 [hbm:s6], $0xF7A  }
0x23: {  	s9 =	sor.u32 $0xD0000000, s2;
	s6 =	simm.s32 $0x108;
	_ =	swait.ge @!p0 [sflag:s8], $0x0  }
0x24: {  	s3 =	sadd.s32 $0x88, s3;
	s6 =	simm.s32 @!p1 $0x1082;
	[sflag:s4] =	ssyncset.s32 $0xFFFFF086  }
0x25: {  	[simem:s6], [sflag:s4] =	dma.local [hbm:s3], $0xF7A  }
0x26: {  	[smem:$0x3F9F] =	sst s1;
	(tag) =	ssettag s2;
	_ =	strace s9  }
0x27: {  	s1 =	sld [smem:$0x3FAF]  }
0x28: {  	s2 =	sld [smem:$0x3FB0]  }
0x29: {  	s4 =	sld [smem:$0x3FB2]  }
0x2a: {  	p0 =	seq.s32 s5, $0x0;
	s5 =	sld [smem:$0x3FB3]  }
0x2b: {  	s6 =	sld [smem:$0x3FB4]  }
0x2c: {  	s7 =	sld [smem:$0x3FB5]  }
0x2d: {  	s3 =	simm.s32 $0x108;
	s8 =	sld [smem:$0x3FB6]  }
0x2e: {  	s3 =	simm.s32 @!p0 $0x1082;
	s9 =	sld [smem:$0x3FB7]  }
0x2f: {  	lr =	sadd.s32 s0, s3;
	s0 =	sld [smem:$0x3FAE]  }
0x30: {  	s3 =	sld [smem:$0x3FB1]  }
0x31: {  	[smem:$0x3FBA] =	sst s10  }
0x32: {  	s10 =	sld [smem:$0x3FB8];
	_ =	sdelay $0x3  }
0x33: {  	p0 =	seq.s32 s10, $0x1;
	s10 =	sld [smem:$0x3FBA];
	_ =	sdelay $0x3  }
0x34: {  	[smem:$0x3FBA] =	sst s10  }
0x35: {  	s10 =	sld [smem:$0x3FB9];
	_ =	sdelay $0x3  }
0x36: {  	p1 =	seq.s32 s10, $0x1;
	s10 =	sld [smem:$0x3FBA];
	_ =	sdelay $0x3  }
0x37: {  	[smem:$0x3FBA] =	sst s10  }
0x38: {  	s10 =	sld [smem:$0x3FBB]  }
0x39: {  	_ = 	snop;
	(pc) =	sbr.ind lr, $3  }
0x3a: {  	_ = 	snop  }
0x3b: {  	_ = 	snop  }
0x3c: {  	p2 =	seq.s32 s10, $0x1;
	s10 =	sld [smem:$0x3FBA]  }
0x3d: {  	_ =	shalt  }
0x3e: {  	_ =	shalt  }
0x3f: {  	_ =	shalt  }
0x40: {  	_ =	shalt  }
0x41: {  	_ =	shalt  }
0x42: {  	_ =	shalt  }
0x43: {  	_ =	shalt  }
0x44: {  	_ =	shalt  }
0x45: {  	_ =	shalt  }
0x46: {  	_ =	shalt  }
0x47: {  	_ =	shalt  }
0x48: {  	_ =	shalt  }
0x49: {  	_ =	shalt  }
0x4a: {  	_ =	shalt  }
0x4b: {  	_ =	shalt  }
0x4c: {  	_ =	shalt  }
0x4d: {  	_ =	shalt  }
0x4e: {  	_ =	shalt  }
0x4f: {  	_ =	shalt  }
0x50: {  	_ =	shalt  }
0x51: {  	_ =	shalt  }
0x52: {  	_ =	shalt  }
0x53: {  	_ =	shalt  }
0x54: {  	_ =	shalt  }
0x55: {  	_ =	shalt  }
0x56: {  	_ =	shalt  }
0x57: {  	_ =	shalt  }
0x58: {  	_ =	shalt  }
0x59: {  	_ =	shalt  }
0x5a: {  	_ =	shalt  }
0x5b: {  	_ =	shalt  }
0x5c: {  	_ =	shalt  }
0x5d: {  	_ =	shalt  }
0x5e: {  	_ =	shalt  }
0x5f: {  	_ =	shalt  }
0x60: {  	_ =	shalt  }
0x61: {  	_ =	shalt  }
0x62: {  	_ =	shalt  }
0x63: {  	_ =	shalt  }
0x64: {  	_ =	shalt  }
0x65: {  	_ =	shalt  }
0x66: {  	_ =	shalt  }
0x67: {  	_ =	shalt  }
0x68: {  	_ =	shalt  }
0x69: {  	_ =	shalt  }
0x6a: {  	_ =	shalt  }
0x6b: {  	_ =	shalt  }
0x6c: {  	_ =	shalt  }
0x6d: {  	_ =	shalt  }
0x6e: {  	_ =	shalt  }
0x6f: {  	_ =	shalt  }
0x70: {  	_ =	shalt  }
0x71: {  	_ =	shalt  }
0x72: {  	_ =	shalt  }
0x73: {  	_ =	shalt  }
0x74: {  	_ =	shalt  }
0x75: {  	_ =	shalt  }
0x76: {  	_ =	shalt  }
0x77: {  	_ =	shalt  }
0x78: {  	_ =	shalt  }
0x79: {  	_ =	shalt  }
0x7a: {  	_ =	shalt  }
0x7b: {  	_ =	shalt  }
0x7c: {  	_ =	shalt  }
0x7d: {  	_ =	shalt  }
0x7e: {  	_ =	shalt  }
0x7f: {  	_ =	shalt  }
0x80: {  	_ =	shalt  }
0x81: {  	_ =	shalt  }
0x82: {  	_ =	shalt  }
0x83: {  	_ =	shalt  }
0x84: {  	_ =	shalt  }
0x85: {  	_ =	shalt  }
0x86: {  	_ =	shalt  }
0x87: {  	_ =	shalt  }
.Lfunc_end0:
.L_simem_size_0:
called_computation_lowered:
.L_overlay_start_0:
0x88: {  	s2 =	sld [smem:$0x3FD9]  }
0x89: {  	s3 =	sld [smem:$0x3FFE];
	_ =	sdelay $0x1  }
0x8a: {  	s1 =	srdreg.scid  }
0x8b: {  	s0 =	sand.u32 $0x1, s1  }
0x8c: {  	s17 =	sshll.u32 s0, $0xA;
	s2 =	sadd.s32 s3, s2  }
0x8d: {  	s2 =	sadd.s32 s2, s17  }
0x8e: {  	[smem:$0x3FC6] =	sst s2  }
0x8f: {  	_ = 	snop  }
0x90: {  	s2 =	sld [smem:$0x3FC9];
	(tm) =	ssettm $0x1  }
0x91: {  	s18 =	sld [smem:$0x3FFB];
	_ =	sdelay $0x3  }
0x92: {  	_ =	strace s18  }
0x93: {  	s3 =	sld [smem:$0x3FFC];
	_ =	sdelay $0x3  }
0x94: {  	_ =	strace s3  }
0x95: {  	s3 =	sld [smem:$0x3FFD];
	_ =	sdelay $0x3  }
0x96: {  	_ =	strace s3  }
0x97: {  	_ =	strace $0x8FFFFFFF  }
0x98: {  	s19 =	sld [smem:$0x3FDB];
	_ =	sdelay $0x1  }
0x99: {  	s4 =	simm.s32 $_scs_section_size  }
0x9a: {  	s5 =	simm.s32 $_size__tile_overlayer_lowered;
	s6 =	simm.s32 $_tile_overlayer_lowered  }
0x9b: {  	s22 =	simm.s32 $0x1BFF;
	s21 =	sshll.u32 s6, $0x1;
	s3 =	sadd.s32 s4, s19  }
0x9c: {  	s7 =	simm.s32 $0x0;
	s20 =	sshll.u32 s5, $0x1;
	s5 =	sadd.s32 s21, s3  }
0x9d: {  	[timem:s7], [sflag:s22] =	dma.local [hbm:s5], s20  }
0x9e: {  	_ =	swait.ge [sflag:s22], s20  }
0x9f: {  	s4 =	ssub.s32 $0x0, s20;
	[sflag:s22] =	ssyncset.done $0x0  }
0xa0: {  	[sflag:s22] =	ssyncadd.s32 s4;
	_ =	sdelay $0x1  }
0xa1: {  	s23 =	simm.s32 $0x1B8B  }
0xa2: {  	_ =	swait.ge [sflag:s23], $0x1  }
0xa3: {  	[sflag:s23] =	ssyncset.done $0x0  }
0xa4: {  	s25 =	simm.s32 $0x1B8E;
	s24 =	sld [smem:$0x3FFE];
	[sflag:s23] =	ssyncadd.s32 $0xFFFFFFFF  }
0xa5: {  	s26 =	simm.s32 $execute0_lowered;
	[smem:$0x3FD2] =	sst s25  }
0xa6: {  	s5 =	sshll.u32 s26, $0x1;
	_ =	strace $0x80000046;
	[dreg:$0x1] =	wrdreg $0xFFFFFFFF  }
0xa7: {  	s28 =	simm.s32 $_size_execute0_lowered;
	s3 =	sadd.s32 s3, s5;
	[dreg:$0x0] =	wrdreg $0x0  }
0xa8: {  	s5 =	sshll.u32 s28, $0x1;
	[dreg:$0x2] =	wrdreg s3  }
0xa9: {  	[dreg:$0x3] =	wrdreg s5  }
0xaa: {  	[dreg:$0x4] =	wrdreg $0xC0  }
0xab: {  	_ =	task [dreg:s7], $0x5FFFF  }
0xac: {  	[dreg:$0x1] =	wrdreg $0xFFFFFFFF  }
0xad: {  	[dreg:$0x0] =	wrdreg $0x60  }
0xae: {  	[dreg:$0x2] =	wrdreg s2  }
0xaf: {  	[dreg:$0x3] =	wrdreg s24  }
0xb0: {  	[dreg:$0x4] =	wrdreg $0x9  }
0xb1: {  	_ =	task.clear_ibuf [dreg:s7], $0x5FFFF;
	_ =	strace $0x90000046  }
0xb2: {  	s29 =	simm.s32 $0x9;
	_ =	strace $0x80000048  }
0xb3: {  	_ =	swait.ge [sflag:s29], $0x1  }
0xb4: {  	[sflag:s29] =	ssyncadd.s32 $0xFFFFFFFF  }
0xb5: {  	_ =	strace $0x90000048  }
0xb6: {  	_ =	sfence  }
0xb7: {  	s30 =	sld [smem:$0x0];
	_ =	sdelay $0x2  }
0xb8: {  	s31 =	sshll.u32 s1, $0xD;
	s1 =	sshrl.u32 s1, $0x2  }
0xb9: {  	s3 =	sand.u32 $0x4000, s31;
	s1 =	sadd.s32 s1, s30  }
0xba: {  	s0 =	sor.u32 s3, s0;
	s1 =	sshll.u32 s1, $0x11  }
0xbb: {  	s0 =	sor.u32 s1, s0  }
0xbc: {  	s0 =	sadd.s32 $0x8F2B, s0  }
0xbd: {  	[sflag:s0] =	ssyncadd.remote.s32 $0x1  }
0xbe: {  	_ =	sfence.sel $0xFFFF  }
0xbf: {  	[dreg:$0x0] =	wrdreg $0xFFFFFFFF;
	(pc) =	sbr.abs _section_cstart, $3  }
0xc0: {  	[dreg:$0x1] =	wrdreg $0xFFFFFFFF  }
0xc1: {  	_ =	task.clear_ibuf [dreg:s7], $0x2FFFF;
	_ =	strace $0x9FFFFFFF  }
0xc2: {  	(tm) =	ssettm $0x7FFFFFFF  }
0xc3: {  	_ =	shalt  }
tec
execute0_lowered:
.L_overlay_start_1:
0x0: {  	(tag) =	ssettag $0x1  }
0x1: {  	s2 =	rddreg [dreg:$0x0]  }
0x2: {  	s0 =	rddreg [dreg:$0x1]  }
0x3: {  	s1 =	srdreg.scid;
	s4 =	stileid.u32  }
0x4: {  	s3 =	simm.s32 $0x0;
	s15 =	simm.s32 $0x5;
	s17 =	simm.s32 $0x4000  }
0x5: {  	s18 =	simm.s32 $0xC000;
	s19 =	simm.s32 $0x1;
	s20 =	simm.s32 $0x10000  }
0x6: {  	s21 =	simm.s32 $0x2;
	s22 =	simm.s32 $0x14000;
	s23 =	simm.s32 $0x3  }
0x7: {  	s24 =	simm.s32 $0x4;
	s1 =	sand.u32 $0x1, s1;
	s4 =	sshll.u32 s4, $0x1  }
0x8: {  	s25 =	simm.s32 $0x0;
	[smem:$0x7FF] =	sst s3;
	s7 =	sor.u32 s1, s4  }
0x9: {  	_ =	strace $0x80000047;
	s1 =	ssub.s32 $0x2, s1;
	s5 =	sshll.u32 s7, $0x9  }
0xa: {  	s4 =	sshll.u32 s7, $0x7;
	s26 =	sshrl.u32 s1, $0x1;
	s28 =	sshll.u32 s7, $0xF  }
0xb: {  	s8 =	sadd.s32 s5, s0;
	s11 =	sor.u32 $0x3000, s4;
	s5 =	sadd.s32 $0x4800, s0  }
.Ltmp0:
0xc: {  	s0 =	ssub.s32 s1, s26;
	s1 =	sadd.s32 s28, s2;
	(pc) =	sbr.rel .LBB2_1-.Ltmp0, $4  }
0xd: {  	s6 =	sshll.u32 s11, $0x8;
	s29 =	sadd.s32 $0x800, s8;
	s9 =	sadd.s32 $0x300800, s1  }
0xe: {  	s10 =	sadd.s32 $0x700800, s1;
	s31 =	sshrl.u32 s11, $0x3;
	s6 =	sadd.s32 s2, s6  }
0xf: {  	s13 =	smax.u32 s0, $0x1;
	[dreg:$0x3] =	wrdreg s29;
	s30 =	sadd.s32 $0x400000, s6  }
0x10: {  	s11 =	sor.u32 $0x2, s31;
	s12 =	sor.u32 $0x3, s31;
	[dreg:$0x4] =	wrdreg s30  }
.LBB2_12:
0x11: {  	s25 =	sadd.s32 $0x1, s25  }
0x12: {  	_ =	swait.ge [sflag:s23], $0x4000;
	p0 =	sne.s32 s25, s13  }
.Ltmp1:
0x13: {  	[sflag:s23] =	ssyncset.done $0x0;
	(pc) =	sbr.rel @!p0 .LBB2_13-.Ltmp1, $4  }
0x14: {  	[sflag:s23] =	ssyncadd.s32 $0xFFFFC000  }
0x15: {  	_ =	swait.ge [sflag:s24], $0x4000  }
0x16: {  	[sflag:s24] =	ssyncset.done $0x0  }
0x17: {  	[sflag:s24] =	ssyncadd.s32 $0xFFFFC000  }
.LBB2_1:
0x18: {  	s0 =	rddreg [dreg:$0x3];
	s1 =	simm.s32 $0x18000  }
0x19: {  	[tilespmem:s1], [sflag:$0x5] =	stream.linear.gather [hbm4b:s0+s3], $0x1000, $0x38;
	[tilespmem:$0x19000] =	vst v63  }
0x1a: {  	_ =	swait.ge [sflag:s15], $0x1000  }
0x1b: {  	[sflag:s15] =	ssyncset.done $0x0  }
0x1c: {  	[sflag:s15] =	ssyncadd.s32 $0xFFFFF000  }
0x1d: {  	[tilespmem:s3], [sflag:$0x1] =	stream.linear.gather [hbm4b:s6+s3], $0x4000, $0x38;
	[tilespmem:$0x19000] =	vst v63  }
0x1e: {  	s31 =	simm.s32 $0x8000;
	s30 =	rddreg [dreg:$0x4]  }
0x1f: {  	[tilespmem:s31], [sflag:$0x1] =	stream.linear.gather [hbm4b:s30+s3], $0x4000, $0x38;
	[tilespmem:$0x19000] =	vst v63  }
0x20: {  	_ = 	snop  }
0x21: {  	[tilespmem:s17], [sflag:$0x2] =	stream.linear.gather [hbm4b:s9+s3], $0x4000, $0x38;
	[tilespmem:$0x19000] =	vst v63  }
0x22: {  	s26 =	simm.s32 $0x0  }
0x23: {  	[tilespmem:s18], [sflag:$0x2] =	stream.linear.gather [hbm4b:s10+s3], $0x4000, $0x38;
	[tilespmem:$0x19000] =	vst v63  }
.LBB2_2:
0x24: {  	_ =	swait.ge [sflag:s19], $0x4000  }
0x25: {  	[sflag:s19] =	ssyncset.done $0x0  }
0x26: {  	[sflag:s19] =	ssyncadd.s32 $0xFFFFC000  }
0x27: {  	_ =	swait.ge [sflag:s19], $0x4000  }
0x28: {  	p0 =	seq.s32 s26, $0x0;
	[sflag:s19] =	ssyncset.done $0x0  }
0x29: {  	s0 =	simm.s32 @!p0 $0x3;
	[sflag:s19] =	ssyncadd.s32 $0xFFFFC000  }
0x2a: {  	_ =	swait.ge @!p0 [sflag:s0], $0x4000  }
0x2b: {  	s28 =	sshll.u32 s26, $0x1;
	s29 =	sshll.u32 s26, $0x4;
	[sflag:s0] =	ssyncset.done @!p0 $0x0  }
0x2c: {  	s30 =	simm.s32 $0x0;
	s31 =	simm.s32 $0x0;
	[sflag:s0] =	ssyncadd.s32 @!p0 $0xFFFFC000  }
.LBB2_3:
0x2d: {  	s0 =	sadd.s32 s29, s31  }
0x2e: {  	s1 =	sand.u32 $0x78, s30;
	s0 =	sshll.u32 s0, $0x5  }
0x2f: {  	s1 =	sadd.s32 s31, s1;
	s0 =	sand.u32 $0x3FFFFFE0, s0  }
0x30: {  	s14 =	sand.u32 $0x70, s30;
	s1 =	sshll.u32 s1, $0x7;
	v0 =	vld [tilespmem:s0+$0x18000]  }
0x31: {  	v1 =	vld [tilespmem:s0+$0x18010];
	s0 =	sor.u32 s14, s1  }
0x32: {  	v3 =	vld [tilespmem:s0+$0x0]  }
0x33: {  	s16 =	simm.s32 $0x1;
	v5 =	vld [tilespmem:s0+$0x8000]  }
0x34: {  	s1 =	sand.u32 $0x78, s16  }
0x35: {  	s14 =	simm.s32 $0x10;
	s1 =	sadd.s32 s31, s1  }
0x36: {  	s16 =	sand.u32 $0x70, s14;
	s1 =	sshll.u32 s1, $0x7  }
0x37: {  	s1 =	sor.u32 s16, s1  }
0x38: {  	v2 =	vld [tilespmem:s1+$0x0];
	v4 =	vmul.f32 v3, v0;
	v5 =	vmul.f32 v5, v1  }
0x39: {  	s16 =	simm.s32 $0x2;
	v3 =	vld [tilespmem:s1+$0x8000]  }
.LBB2_4:
0x3a: {  	s7 =	sand.u32 $0x78, s16;
	s14 =	sadd.s32 $0x10, s14;
	v4 =	vadd.f32 v5, v4;
	p1 =	sne.s32 s16, $0x7F  }
.Ltmp2:
0x3b: {  	s16 =	sadd.s32 $0x1, s16;
	s7 =	sadd.s32 s31, s7;
	(pc) =	sbr.rel @p1 .LBB2_4-.Ltmp2, $4  }
0x3c: {  	s8 =	sand.u32 $0x70, s14;
	s7 =	sshll.u32 s7, $0x7;
	[tilespmem:s0+$0x10000] =	vst v4;
	s0 =	smov.u32 s1  }
0x3d: {  	s1 =	sor.u32 s8, s7  }
0x3e: {  	v4 =	vmul.f32 v2, v0;
	v2 =	vld [tilespmem:s1+$0x0];
	v5 =	vmul.f32 v3, v1  }
0x3f: {  	v3 =	vld [tilespmem:s1+$0x8000]  }
0x40: {  	_ =	sdelay $0x1  }
0x41: {  	s31 =	sadd.s32 $0x1, s31  }
0x42: {  	p1 =	sne.s32 s31, $0x8  }
.Ltmp3:
0x43: {  	v0 =	vmul.f32 v2, v0;
	v1 =	vmul.f32 v3, v1;
	(pc) =	sbr.rel @p1 .LBB2_3-.Ltmp3, $4  }
0x44: {  	v63 =	vadd.f32 v5, v4  }
0x45: {  	v0 =	vadd.f32 v1, v0  }
0x46: {  	[tilespmem:s0+$0x10000] =	vst v63  }
0x47: {  	[tilespmem:s1+$0x10000] =	vst v0  }
0x48: {  	s0 =	sadd.s32 s4, s29  }
0x49: {  	s0 =	sshll.u32 s0, $0x8  }
0x4a: {  	p1 =	seq.s32 s26, $0x7;
	s0 =	sadd.s32 s5, s0  }
0x4b: {  	[hbm4b:s0+s3] =	stream.linear.scatter [tilespmem:s20], [sflag:$0x3], $0x4000, $0x38;
	[tilespmem:$0x19000] =	vst v63  }
0x4c: {  	s0 =	sadd.s32 @!p1 s28, s11  }
0x4d: {  	s0 =	sshll.u32 @!p1 s0, $0xB  }
0x4e: {  	s0 =	sand.u32 @!p1 $0x1FFFF800, s0  }
0x4f: {  	s1 =	simm.s32 @!p1 $0x0;
	s0 =	sadd.s32 @!p1 s2, s0  }
0x50: {  	[tilespmem:s1], [sflag:$0x1] =	stream.linear.gather @!p1 [hbm4b:s0+s1], $0x4000, $0x38;
	[tilespmem:$0x19000] =	vst v63  }
0x51: {  	s7 =	simm.s32 @!p1 $0x8000;
	s0 =	sadd.s32 @!p1 $0x400000, s0  }
0x52: {  	[tilespmem:s7], [sflag:$0x1] =	stream.linear.gather @!p1 [hbm4b:s0+s1], $0x4000, $0x38;
	[tilespmem:$0x19000] =	vst v63  }
0x53: {  	_ =	swait.ge [sflag:s21], $0x4000  }
0x54: {  	[sflag:s21] =	ssyncset.done $0x0  }
0x55: {  	[sflag:s21] =	ssyncadd.s32 $0xFFFFC000  }
0x56: {  	_ =	swait.ge [sflag:s21], $0x4000  }
0x57: {  	[sflag:s21] =	ssyncset.done $0x0  }
0x58: {  	s0 =	simm.s32 @!p0 $0x4;
	[sflag:s21] =	ssyncadd.s32 $0xFFFFC000  }
0x59: {  	_ =	swait.ge @!p0 [sflag:s0], $0x4000  }
0x5a: {  	s29 =	sor.u32 $0x8, s29;
	[sflag:s0] =	ssyncset.done @!p0 $0x0  }
0x5b: {  	s30 =	simm.s32 $0x0;
	s31 =	simm.s32 $0x0;
	[sflag:s0] =	ssyncadd.s32 @!p0 $0xFFFFC000  }
.LBB2_7:
0x5c: {  	s0 =	sadd.s32 s29, s31  }
0x5d: {  	s1 =	sand.u32 $0x78, s30;
	s0 =	sshll.u32 s0, $0x5  }
0x5e: {  	s1 =	sadd.s32 s31, s1;
	s0 =	sand.u32 $0x3FFFFFE0, s0  }
0x5f: {  	s7 =	sand.u32 $0x70, s30;
	s1 =	sshll.u32 s1, $0x7;
	v0 =	vld [tilespmem:s0+$0x18000]  }
0x60: {  	v1 =	vld [tilespmem:s0+$0x18010];
	s0 =	sor.u32 s7, s1  }
0x61: {  	v3 =	vld [tilespmem:s0+$0x4000]  }
0x62: {  	s14 =	simm.s32 $0x1;
	v5 =	vld [tilespmem:s0+$0xC000]  }
0x63: {  	s1 =	sand.u32 $0x78, s14  }
0x64: {  	s14 =	simm.s32 $0x10;
	s1 =	sadd.s32 s31, s1  }
0x65: {  	s16 =	sand.u32 $0x70, s14;
	s1 =	sshll.u32 s1, $0x7  }
0x66: {  	s1 =	sor.u32 s16, s1  }
0x67: {  	v2 =	vld [tilespmem:s1+$0x4000];
	v4 =	vmul.f32 v3, v0;
	v5 =	vmul.f32 v5, v1  }
0x68: {  	s16 =	simm.s32 $0x2;
	v3 =	vld [tilespmem:s1+$0xC000]  }
.LBB2_8:
0x69: {  	s7 =	sand.u32 $0x78, s16;
	s14 =	sadd.s32 $0x10, s14;
	v4 =	vadd.f32 v5, v4;
	p0 =	sne.s32 s16, $0x7F  }
.Ltmp4:
0x6a: {  	s16 =	sadd.s32 $0x1, s16;
	s7 =	sadd.s32 s31, s7;
	(pc) =	sbr.rel @p0 .LBB2_8-.Ltmp4, $4  }
0x6b: {  	s8 =	sand.u32 $0x70, s14;
	s7 =	sshll.u32 s7, $0x7;
	[tilespmem:s0+$0x14000] =	vst v4;
	s0 =	smov.u32 s1  }
0x6c: {  	s1 =	sor.u32 s8, s7  }
0x6d: {  	v4 =	vmul.f32 v2, v0;
	v2 =	vld [tilespmem:s1+$0x4000];
	v5 =	vmul.f32 v3, v1  }
0x6e: {  	v3 =	vld [tilespmem:s1+$0xC000]  }
0x6f: {  	_ =	sdelay $0x1  }
0x70: {  	s31 =	sadd.s32 $0x1, s31  }
0x71: {  	p0 =	sne.s32 s31, $0x8  }
.Ltmp5:
0x72: {  	v0 =	vmul.f32 v2, v0;
	v1 =	vmul.f32 v3, v1;
	(pc) =	sbr.rel @p0 .LBB2_7-.Ltmp5, $4  }
0x73: {  	v63 =	vadd.f32 v5, v4  }
0x74: {  	v0 =	vadd.f32 v1, v0  }
0x75: {  	[tilespmem:s0+$0x14000] =	vst v63  }
0x76: {  	[tilespmem:s1+$0x14000] =	vst v0  }
.Ltmp6:
0x77: {  	(pc) =	sbr.rel @p1 .LBB2_12-.Ltmp6, $4  }
0x78: {  	s0 =	sadd.s32 s4, s29  }
0x79: {  	s0 =	sshll.u32 s0, $0x8  }
0x7a: {  	s0 =	sadd.s32 s5, s0  }
0x7b: {  	[hbm4b:s0+s3] =	stream.linear.scatter [tilespmem:s22], [sflag:$0x4], $0x4000, $0x38;
	[tilespmem:$0x19000] =	vst v63  }
0x7c: {  	s0 =	sadd.s32 s28, s12  }
0x7d: {  	s0 =	sshll.u32 s0, $0xB  }
.Ltmp7:
0x7e: {  	s0 =	sand.u32 $0x1FFFF800, s0;
	(pc) =	sbr.rel .LBB2_2-.Ltmp7, $4  }
0x7f: {  	s0 =	sadd.s32 s2, s0  }
0x80: {  	[tilespmem:s17], [sflag:$0x2] =	stream.linear.gather [hbm4b:s0+s3], $0x4000, $0x38;
	[tilespmem:$0x19000] =	vst v63  }
0x81: {  	s26 =	sadd.s32 $0x1, s26;
	s0 =	sadd.s32 $0x400000, s0  }
0x82: {  	[tilespmem:s18], [sflag:$0x2] =	stream.linear.gather [hbm4b:s0+s3], $0x4000, $0x38;
	[tilespmem:$0x19000] =	vst v63  }
.LBB2_13:
0x83: {  	_ =	sfence.sel $0x180000  }
0x84: {  	[bflag:$0x0] =	sbarrier.arrive $0xFFFF  }
0x85: {  	_ =	strace $0x90000047  }
0x86: {  	s0 =	stileid.u32;
	[bflag:$0x2] =	sbarrier.arrive $0xFFFF  }
0x87: {  	p0 =	sne.s32 s0, $0x0;
	s0 =	rddreg [dreg:$0x2]  }
0x88: {  	s0 =	sadd.s32 @!p0 $0x100000, s0  }
0x89: {  	[sflag:s0] =	ssyncadd.tile.s32 @!p0 $0x1;
	_ =	shalt  }
.Lfunc_end2:
_tile_overlayer_lowered:
.L_overlay_start_2:
0x8a: {  	(tag) =	ssettag $0x2  }
0x8b: {  	s0 =	rddreg [dreg:$0x0];
	s2 =	stileid.u32  }
0x8c: {  	s1 =	rddreg [dreg:$0x1];
	p0 =	sne.s32 s2, $0x0  }
0x8d: {  	s3 =	rddreg [dreg:$0x2];
	[bflag:$0x3] =	sbarrier.arrive $0xFFFF;
	s2 =	simm.s32 @!p0 $0x1C05  }
0x8e: {  	[timem:s3], [sflag:s2] =	dma.local @!p0 [hbm:s0], s1  }
0x8f: {  	s0 =	simm.s32 @!p0 $0x5  }
0x90: {  	_ =	swait.ge @!p0 [sflag:s0], s1  }
0x91: {  	s1 =	ssub.s32 @!p0 $0x0, s1;
	[sflag:s0] =	ssyncset.done @!p0 $0x0  }
0x92: {  	[sflag:s0] =	ssyncadd.s32 @!p0 s1  }
0x93: {  	[bflag:$0x3] =	sbarrier.arrive $0xFFFF  }
0x94: {  	_ =	shalt  }

</sc_bundles>
